<compile_context>
chip_gen: v7x
topology: tpu7x:2x2x1
jax: 0.10.2.dev20260603
libtpu: 0.0.44.dev20260713+nightly
codegen_flags: <defaults>
</compile_context>

<pallas_src>
import functools

import jax
import jax.numpy as jnp
from jax import lax
from jax.experimental import pallas as pl
from jax.experimental.pallas import tpu as pltpu
from jax.experimental.pallas import tpu_sc as plsc

B = 16384
EMB = 64
NC = 2
NS = 16
NW = NC * NS
BPW = B // NW
C = 128
NCHUNK = BPW // C
LANES = EMB // 16


def _transe_body(h_hbm, r_hbm, t_hbm, n_hbm, ent_hbm, rel_hbm,
                 score_hbm, neg_hbm,
                 hi, ri, ti, ni, hrows, rrows, trows, nrows, sem):
    wid = lax.axis_index("s") * NC + lax.axis_index("c")
    base = wid * BPW

    for chunk in range(NCHUNK):
        off = base + chunk * C
        pltpu.sync_copy(h_hbm.at[pl.ds(off, C)], hi)
        pltpu.sync_copy(r_hbm.at[pl.ds(off, C)], ri)
        pltpu.sync_copy(t_hbm.at[pl.ds(off, C)], ti)
        pltpu.sync_copy(n_hbm.at[pl.ds(off, C)], ni)

        g1 = pltpu.async_copy(ent_hbm.at[hi], hrows, sem)
        g2 = pltpu.async_copy(rel_hbm.at[ri], rrows, sem)
        g3 = pltpu.async_copy(ent_hbm.at[ti], trows, sem)
        g4 = pltpu.async_copy(ent_hbm.at[ni], nrows, sem)
        g1.wait()
        g2.wait()
        g3.wait()
        g4.wait()

        def row(i, _):
            for j in range(LANES):
                sl = pl.ds(j * 16, 16)
                hr = hrows[i, sl] + rrows[i, sl]
                trows[i, sl] = hr - trows[i, sl]
                nrows[i, sl] = hr - nrows[i, sl]
            return _

        lax.fori_loop(0, C, row, None)

        pltpu.sync_copy(trows, score_hbm.at[pl.ds(off, C)])
        pltpu.sync_copy(nrows, neg_hbm.at[pl.ds(off, C)])


@jax.jit
def _transe(h, r, t, n, ent, rel):
    mesh = plsc.VectorSubcoreMesh(core_axis_name="c", subcore_axis_name="s")
    f = functools.partial(
        pl.kernel,
        mesh=mesh,
        compiler_params=pltpu.CompilerParams(use_tc_tiling_on_sc=False),
        out_type=(
            jax.ShapeDtypeStruct((B, EMB), jnp.float32),
            jax.ShapeDtypeStruct((B, EMB), jnp.float32),
        ),
        scratch_types=[
            pltpu.VMEM((C,), jnp.int32),
            pltpu.VMEM((C,), jnp.int32),
            pltpu.VMEM((C,), jnp.int32),
            pltpu.VMEM((C,), jnp.int32),
            pltpu.VMEM((C, EMB), jnp.float32),
            pltpu.VMEM((C, EMB), jnp.float32),
            pltpu.VMEM((C, EMB), jnp.float32),
            pltpu.VMEM((C, EMB), jnp.float32),
            pltpu.SemaphoreType.DMA,
        ],
    )(_transe_body)
    return f(h, r, t, n, ent, rel)


def kernel(h, r, t, neg_t_idx, entity_emb, relation_emb):
    score, neg = _transe(
        h.astype(jnp.int32),
        r.astype(jnp.int32),
        t.astype(jnp.int32),
        neg_t_idx.astype(jnp.int32),
        entity_emb,
        relation_emb,
    )
    return score[:, None, :], neg[:, None, :]

# --- scband reference (transcript-rebuilt; emitter-appended) ---
"""Pipeline reference for scband-trans-e-13194139533620 (READ-ONLY COPY).

The authoritative reference and input builder live on the scoring server;
editing this copy changes nothing except your own understanding.
"""

import jax, jax.numpy as jnp
import numpy as np

NUM_ENT = 1000000
NUM_REL = 1000
EMB = 64
B = 16384


def _xavier_normal(key, n, d):
    std = (2.0 / (n + d)) ** 0.5
    return jax.random.normal(key, (n, d), dtype=jnp.float32) * std


def setup_inputs(seed: int = 0) -> dict:
    key = jax.random.key(seed)
    k1, k2, k3, k4, k5, k6 = jax.random.split(key, 6)
    h = jax.random.randint(k1, (B,), 0, NUM_ENT)
    r = jax.random.randint(k2, (B,), 0, NUM_REL)
    t = jax.random.randint(k3, (B,), 0, NUM_ENT)
    # torch forward draws neg tail ids with python random.randint; we precompute
    # them as an explicit (constant) index tensor for determinism.
    neg_t_idx = jax.random.randint(k6, (B,), 0, NUM_ENT)
    entity_emb = _xavier_normal(k4, NUM_ENT, EMB)
    relation_emb = _xavier_normal(k5, NUM_REL, EMB)
    # init applies L2-normalization to the relation table
    relation_emb = relation_emb / jnp.linalg.norm(relation_emb, axis=-1, keepdims=True)
    return {
        "h": h,
        "r": r,
        "t": t,
        "neg_t_idx": neg_t_idx,
        "entity_emb": entity_emb,
        "relation_emb": relation_emb,
    }


def reference(h, r, t, neg_t_idx, entity_emb, relation_emb):
    # word2idx dicts are identity maps, so the python-side remapping is a no-op.
    # torch reshapes flat ids to [B,1] before Embedding -> output [B,1,EMB].
    h_e = jnp.take(entity_emb, h, axis=0)[:, None, :]
    t_e = jnp.take(entity_emb, t, axis=0)[:, None, :]
    r_e = jnp.take(relation_emb, r, axis=0)[:, None, :]
    neg_t_e = jnp.take(entity_emb, neg_t_idx, axis=0)[:, None, :]
    score = h_e + r_e - t_e
    neg_score = h_e + r_e - neg_t_e
    return (score, neg_score)

if __name__ == "__main__":
    import jax
    _d = setup_inputs()
    print(jax.jit(kernel)(*tuple(_d.values())))

</pallas_src>

<mosaic_0001>
#map = affine_map<(d0, d1) -> (0)>
#map1 = affine_map<(d0, d1) -> (0, 0)>
module attributes {stable_mosaic.version = 14 : i64} {
  func.func @_transe_body(%arg0: i32, %arg1: i32, %arg2: memref<16384xi32, #tpu.memory_space<hbm>>, %arg3: memref<16384xi32, #tpu.memory_space<hbm>>, %arg4: memref<16384xi32, #tpu.memory_space<hbm>>, %arg5: memref<16384xi32, #tpu.memory_space<hbm>>, %arg6: memref<1000000x64xf32, #tpu.memory_space<hbm>>, %arg7: memref<1000x64xf32, #tpu.memory_space<hbm>>, %arg8: memref<16384x64xf32, #tpu.memory_space<hbm>>, %arg9: memref<16384x64xf32, #tpu.memory_space<hbm>>, %arg10: memref<128xi32, #tpu.memory_space<vmem>>, %arg11: memref<128xi32, #tpu.memory_space<vmem>>, %arg12: memref<128xi32, #tpu.memory_space<vmem>>, %arg13: memref<128xi32, #tpu.memory_space<vmem>>, %arg14: memref<128x64xf32, #tpu.memory_space<vmem>>, %arg15: memref<128x64xf32, #tpu.memory_space<vmem>>, %arg16: memref<128x64xf32, #tpu.memory_space<vmem>>, %arg17: memref<128x64xf32, #tpu.memory_space<vmem>>, %arg18: memref<!tpu.dma_semaphore, #tpu.memory_space<semaphore_mem>>) attributes {dimension_semantics = [#tpu.dimension_semantics<core_parallel>, #tpu.dimension_semantics<subcore_parallel>], iteration_bounds = array<i64: 2, 16>, scalar_prefetch = 0 : i64, scratch_operands = 9 : i64, tpu.core_type = #tpu.core_type<sc_vector_subcore>, window_params = [{transform_indices = #map}, {transform_indices = #map}, {transform_indices = #map}, {transform_indices = #map}, {transform_indices = #map1}, {transform_indices = #map1}, {transform_indices = #map1}, {transform_indices = #map1}]} {
    %mul3A = arith.constant 2 : i32
    %mul3A_0 = arith.muli %arg1, %mul3A : i32
    %add3A = arith.addi %mul3A_0, %arg0 : i32
    %mul3A_1 = arith.constant 512 : i32
    %mul3A_2 = arith.muli %add3A, %mul3A_1 : i32
    %add3A_3 = arith.constant 0 : i32
    %add3A_4 = arith.addi %mul3A_2, %add3A_3 : i32
    "tpu.region"() ({
      %run_scoped3A = tpu.sem_alloc : memref<!tpu.dma_semaphore, #tpu.memory_space<semaphore_mem>>
      %dma_start3A_124 = tpu.memref_slice %arg2[%add3A_4] : memref<16384xi32, #tpu.memory_space<hbm>> -> memref<128xi32, #tpu.memory_space<hbm>>
      %dma_start3A_125 = tpu.memref_slice %arg2[%add3A_4] : memref<16384xi32, #tpu.memory_space<hbm>> -> memref<128xi32, #tpu.memory_space<hbm>>
      tpu.enqueue_dma source(%dma_start3A_125 : memref<128xi32, #tpu.memory_space<hbm>>) target(%arg10 : memref<128xi32, #tpu.memory_space<vmem>>) target_semaphore(%run_scoped3A : memref<!tpu.dma_semaphore, #tpu.memory_space<semaphore_mem>>)
      %dma_wait3A_126 = tpu.memref_slice %arg2[%add3A_4] : memref<16384xi32, #tpu.memory_space<hbm>> -> memref<128xi32, #tpu.memory_space<hbm>>
      %dma_wait3A_127 = tpu.memref_slice %arg2[%add3A_4] : memref<16384xi32, #tpu.memory_space<hbm>> -> memref<128xi32, #tpu.memory_space<hbm>>
      tpu.wait_dma2 semaphore(%run_scoped3A : memref<!tpu.dma_semaphore, #tpu.memory_space<semaphore_mem>>) src(%dma_wait3A_127 : memref<128xi32, #tpu.memory_space<hbm>>) dst(%arg10 : memref<128xi32, #tpu.memory_space<vmem>>)
      tpu.yield
    }) : () -> ()
    "tpu.region"() ({
      %run_scoped3A = tpu.sem_alloc : memref<!tpu.dma_semaphore, #tpu.memory_space<semaphore_mem>>
      %dma_start3A_124 = tpu.memref_slice %arg3[%add3A_4] : memref<16384xi32, #tpu.memory_space<hbm>> -> memref<128xi32, #tpu.memory_space<hbm>>
      %dma_start3A_125 = tpu.memref_slice %arg3[%add3A_4] : memref<16384xi32, #tpu.memory_space<hbm>> -> memref<128xi32, #tpu.memory_space<hbm>>
      tpu.enqueue_dma source(%dma_start3A_125 : memref<128xi32, #tpu.memory_space<hbm>>) target(%arg11 : memref<128xi32, #tpu.memory_space<vmem>>) target_semaphore(%run_scoped3A : memref<!tpu.dma_semaphore, #tpu.memory_space<semaphore_mem>>)
      %dma_wait3A_126 = tpu.memref_slice %arg3[%add3A_4] : memref<16384xi32, #tpu.memory_space<hbm>> -> memref<128xi32, #tpu.memory_space<hbm>>
      %dma_wait3A_127 = tpu.memref_slice %arg3[%add3A_4] : memref<16384xi32, #tpu.memory_space<hbm>> -> memref<128xi32, #tpu.memory_space<hbm>>
      tpu.wait_dma2 semaphore(%run_scoped3A : memref<!tpu.dma_semaphore, #tpu.memory_space<semaphore_mem>>) src(%dma_wait3A_127 : memref<128xi32, #tpu.memory_space<hbm>>) dst(%arg11 : memref<128xi32, #tpu.memory_space<vmem>>)
      tpu.yield
    }) : () -> ()
    "tpu.region"() ({
      %run_scoped3A = tpu.sem_alloc : memref<!tpu.dma_semaphore, #tpu.memory_space<semaphore_mem>>
      %dma_start3A_124 = tpu.memref_slice %arg4[%add3A_4] : memref<16384xi32, #tpu.memory_space<hbm>> -> memref<128xi32, #tpu.memory_space<hbm>>
      %dma_start3A_125 = tpu.memref_slice %arg4[%add3A_4] : memref<16384xi32, #tpu.memory_space<hbm>> -> memref<128xi32, #tpu.memory_space<hbm>>
      tpu.enqueue_dma source(%dma_start3A_125 : memref<128xi32, #tpu.memory_space<hbm>>) target(%arg12 : memref<128xi32, #tpu.memory_space<vmem>>) target_semaphore(%run_scoped3A : memref<!tpu.dma_semaphore, #tpu.memory_space<semaphore_mem>>)
      %dma_wait3A_126 = tpu.memref_slice %arg4[%add3A_4] : memref<16384xi32, #tpu.memory_space<hbm>> -> memref<128xi32, #tpu.memory_space<hbm>>
      %dma_wait3A_127 = tpu.memref_slice %arg4[%add3A_4] : memref<16384xi32, #tpu.memory_space<hbm>> -> memref<128xi32, #tpu.memory_space<hbm>>
      tpu.wait_dma2 semaphore(%run_scoped3A : memref<!tpu.dma_semaphore, #tpu.memory_space<semaphore_mem>>) src(%dma_wait3A_127 : memref<128xi32, #tpu.memory_space<hbm>>) dst(%arg12 : memref<128xi32, #tpu.memory_space<vmem>>)
      tpu.yield
    }) : () -> ()
    "tpu.region"() ({
      %run_scoped3A = tpu.sem_alloc : memref<!tpu.dma_semaphore, #tpu.memory_space<semaphore_mem>>
      %dma_start3A_124 = tpu.memref_slice %arg5[%add3A_4] : memref<16384xi32, #tpu.memory_space<hbm>> -> memref<128xi32, #tpu.memory_space<hbm>>
      %dma_start3A_125 = tpu.memref_slice %arg5[%add3A_4] : memref<16384xi32, #tpu.memory_space<hbm>> -> memref<128xi32, #tpu.memory_space<hbm>>
      tpu.enqueue_dma source(%dma_start3A_125 : memref<128xi32, #tpu.memory_space<hbm>>) target(%arg13 : memref<128xi32, #tpu.memory_space<vmem>>) target_semaphore(%run_scoped3A : memref<!tpu.dma_semaphore, #tpu.memory_space<semaphore_mem>>)
      %dma_wait3A_126 = tpu.memref_slice %arg5[%add3A_4] : memref<16384xi32, #tpu.memory_space<hbm>> -> memref<128xi32, #tpu.memory_space<hbm>>
      %dma_wait3A_127 = tpu.memref_slice %arg5[%add3A_4] : memref<16384xi32, #tpu.memory_space<hbm>> -> memref<128xi32, #tpu.memory_space<hbm>>
      tpu.wait_dma2 semaphore(%run_scoped3A : memref<!tpu.dma_semaphore, #tpu.memory_space<semaphore_mem>>) src(%dma_wait3A_127 : memref<128xi32, #tpu.memory_space<hbm>>) dst(%arg13 : memref<128xi32, #tpu.memory_space<vmem>>)
      tpu.yield
    }) : () -> ()
    %dma_start3A = arith.constant 0 : i32
    %dma_start3A_5 = arith.constant 0 : i32
    %dma_start3A_6 = tpu.memref_slice %arg6[%dma_start3A, %dma_start3A_5] : memref<1000000x64xf32, #tpu.memory_space<hbm>> -> memref<1000000x64xf32, #tpu.memory_space<hbm>>
    tpu.enqueue_indirect_dma source(%dma_start3A_6 : memref<1000000x64xf32, #tpu.memory_space<hbm>>) target(%arg14 : memref<128x64xf32, #tpu.memory_space<vmem>>) offsets(%arg10 : memref<128xi32, #tpu.memory_space<vmem>>) semaphore(%arg18 : memref<!tpu.dma_semaphore, #tpu.memory_space<semaphore_mem>>)
    %dma_start3A_7 = arith.constant 0 : i32
    %dma_start3A_8 = arith.constant 0 : i32
    %dma_start3A_9 = tpu.memref_slice %arg7[%dma_start3A_7, %dma_start3A_8] : memref<1000x64xf32, #tpu.memory_space<hbm>> -> memref<1000x64xf32, #tpu.memory_space<hbm>>
    tpu.enqueue_indirect_dma source(%dma_start3A_9 : memref<1000x64xf32, #tpu.memory_space<hbm>>) target(%arg15 : memref<128x64xf32, #tpu.memory_space<vmem>>) offsets(%arg11 : memref<128xi32, #tpu.memory_space<vmem>>) semaphore(%arg18 : memref<!tpu.dma_semaphore, #tpu.memory_space<semaphore_mem>>)
    %dma_start3A_10 = arith.constant 0 : i32
    %dma_start3A_11 = arith.constant 0 : i32
    %dma_start3A_12 = tpu.memref_slice %arg6[%dma_start3A_10, %dma_start3A_11] : memref<1000000x64xf32, #tpu.memory_space<hbm>> -> memref<1000000x64xf32, #tpu.memory_space<hbm>>
    tpu.enqueue_indirect_dma source(%dma_start3A_12 : memref<1000000x64xf32, #tpu.memory_space<hbm>>) target(%arg16 : memref<128x64xf32, #tpu.memory_space<vmem>>) offsets(%arg12 : memref<128xi32, #tpu.memory_space<vmem>>) semaphore(%arg18 : memref<!tpu.dma_semaphore, #tpu.memory_space<semaphore_mem>>)
    %dma_start3A_13 = arith.constant 0 : i32
    %dma_start3A_14 = arith.constant 0 : i32
    %dma_start3A_15 = tpu.memref_slice %arg6[%dma_start3A_13, %dma_start3A_14] : memref<1000000x64xf32, #tpu.memory_space<hbm>> -> memref<1000000x64xf32, #tpu.memory_space<hbm>>
    tpu.enqueue_indirect_dma source(%dma_start3A_15 : memref<1000000x64xf32, #tpu.memory_space<hbm>>) target(%arg17 : memref<128x64xf32, #tpu.memory_space<vmem>>) offsets(%arg13 : memref<128xi32, #tpu.memory_space<vmem>>) semaphore(%arg18 : memref<!tpu.dma_semaphore, #tpu.memory_space<semaphore_mem>>)
    %dma_wait3A = arith.constant 0 : i32
    %dma_wait3A_16 = arith.constant 0 : i32
    %dma_wait3A_17 = tpu.memref_slice %arg6[%dma_wait3A, %dma_wait3A_16] : memref<1000000x64xf32, #tpu.memory_space<hbm>> -> memref<1000000x64xf32, #tpu.memory_space<hbm>>
    tpu.wait_indirect_dma semaphore(%arg18 : memref<!tpu.dma_semaphore, #tpu.memory_space<semaphore_mem>>) src(%dma_wait3A_17 : memref<1000000x64xf32, #tpu.memory_space<hbm>>) dst(%arg14 : memref<128x64xf32, #tpu.memory_space<vmem>>)
    %dma_wait3A_18 = arith.constant 0 : i32
    %dma_wait3A_19 = arith.constant 0 : i32
    %dma_wait3A_20 = tpu.memref_slice %arg7[%dma_wait3A_18, %dma_wait3A_19] : memref<1000x64xf32, #tpu.memory_space<hbm>> -> memref<1000x64xf32, #tpu.memory_space<hbm>>
    tpu.wait_indirect_dma semaphore(%arg18 : memref<!tpu.dma_semaphore, #tpu.memory_space<semaphore_mem>>) src(%dma_wait3A_20 : memref<1000x64xf32, #tpu.memory_space<hbm>>) dst(%arg15 : memref<128x64xf32, #tpu.memory_space<vmem>>)
    %dma_wait3A_21 = arith.constant 0 : i32
    %dma_wait3A_22 = arith.constant 0 : i32
    %dma_wait3A_23 = tpu.memref_slice %arg6[%dma_wait3A_21, %dma_wait3A_22] : memref<1000000x64xf32, #tpu.memory_space<hbm>> -> memref<1000000x64xf32, #tpu.memory_space<hbm>>
    tpu.wait_indirect_dma semaphore(%arg18 : memref<!tpu.dma_semaphore, #tpu.memory_space<semaphore_mem>>) src(%dma_wait3A_23 : memref<1000000x64xf32, #tpu.memory_space<hbm>>) dst(%arg16 : memref<128x64xf32, #tpu.memory_space<vmem>>)
    %dma_wait3A_24 = arith.constant 0 : i32
    %dma_wait3A_25 = arith.constant 0 : i32
    %dma_wait3A_26 = tpu.memref_slice %arg6[%dma_wait3A_24, %dma_wait3A_25] : memref<1000000x64xf32, #tpu.memory_space<hbm>> -> memref<1000000x64xf32, #tpu.memory_space<hbm>>
    tpu.wait_indirect_dma semaphore(%arg18 : memref<!tpu.dma_semaphore, #tpu.memory_space<semaphore_mem>>) src(%dma_wait3A_26 : memref<1000000x64xf32, #tpu.memory_space<hbm>>) dst(%arg17 : memref<128x64xf32, #tpu.memory_space<vmem>>)
    %scan3A = arith.constant 0 : i32
    %scan3A_27 = arith.constant 128 : i32
    %scan3A_28 = arith.addi %scan3A, %scan3A_27 : i32
    %scan3A_29 = arith.constant 1 : i32
    scf.for %scan3A_124 = %scan3A to %scan3A_28 step %scan3A_29  : i32 {
      %get3A = arith.index_cast %scan3A_124 : i32 to index
      %get3A_125 = arith.constant 0 : index
      %get3A_126 = tpu.vector_load %arg14[%get3A, %get3A_125] {strides = array<i32>} : memref<128x64xf32, #tpu.memory_space<vmem>>, vector<1x16xf32>,
      %get3A_127 = vector.shape_cast %get3A_126 : vector<1x16xf32> to vector<16xf32>
      %get3A_128 = arith.index_cast %scan3A_124 : i32 to index
      %get3A_129 = arith.constant 0 : index
      %get3A_130 = tpu.vector_load %arg15[%get3A_128, %get3A_129] {strides = array<i32>} : memref<128x64xf32, #tpu.memory_space<vmem>>, vector<1x16xf32>,
      %get3A_131 = vector.shape_cast %get3A_130 : vector<1x16xf32> to vector<16xf32>
      %add3A_132 = arith.addf %get3A_127, %get3A_131 : vector<16xf32>
      %get3A_133 = arith.index_cast %scan3A_124 : i32 to index
      %get3A_134 = arith.constant 0 : index
      %get3A_135 = tpu.vector_load %arg16[%get3A_133, %get3A_134] {strides = array<i32>} : memref<128x64xf32, #tpu.memory_space<vmem>>, vector<1x16xf32>,
      %get3A_136 = vector.shape_cast %get3A_135 : vector<1x16xf32> to vector<16xf32>
      %sub3A = arith.subf %add3A_132, %get3A_136 : vector<16xf32>
      %swap3A = arith.index_cast %scan3A_124 : i32 to index
      %swap3A_137 = arith.constant 0 : index
      %swap3A_138 = tpu.vector_load %arg16[%swap3A, %swap3A_137] {strides = array<i32>} : memref<128x64xf32, #tpu.memory_space<vmem>>, vector<1x16xf32>,
      %swap3A_139 = vector.shape_cast %swap3A_138 : vector<1x16xf32> to vector<16xf32>
      %swap3A_140 = vector.shape_cast %sub3A : vector<16xf32> to vector<1x16xf32>
      tpu.vector_store %arg16[%swap3A, %swap3A_137], %swap3A_140 {strides = array<i32>} : memref<128x64xf32, #tpu.memory_space<vmem>>, vector<1x16xf32>,
      %get3A_141 = arith.index_cast %scan3A_124 : i32 to index
      %get3A_142 = arith.constant 0 : index
      %get3A_143 = tpu.vector_load %arg17[%get3A_141, %get3A_142] {strides = array<i32>} : memref<128x64xf32, #tpu.memory_space<vmem>>, vector<1x16xf32>,
      %get3A_144 = vector.shape_cast %get3A_143 : vector<1x16xf32> to vector<16xf32>
      %sub3A_145 = arith.subf %add3A_132, %get3A_144 : vector<16xf32>
      %swap3A_146 = arith.index_cast %scan3A_124 : i32 to index
      %swap3A_147 = arith.constant 0 : index
      %swap3A_148 = tpu.vector_load %arg17[%swap3A_146, %swap3A_147] {strides = array<i32>} : memref<128x64xf32, #tpu.memory_space<vmem>>, vector<1x16xf32>,
      %swap3A_149 = vector.shape_cast %swap3A_148 : vector<1x16xf32> to vector<16xf32>
      %swap3A_150 = vector.shape_cast %sub3A_145 : vector<16xf32> to vector<1x16xf32>
      tpu.vector_store %arg17[%swap3A_146, %swap3A_147], %swap3A_150 {strides = array<i32>} : memref<128x64xf32, #tpu.memory_space<vmem>>, vector<1x16xf32>,
      %get3A_151 = arith.index_cast %scan3A_124 : i32 to index
      %get3A_152 = arith.constant 16 : index
      %get3A_153 = tpu.vector_load %arg14[%get3A_151, %get3A_152] {strides = array<i32>} : memref<128x64xf32, #tpu.memory_space<vmem>>, vector<1x16xf32>,
      %get3A_154 = vector.shape_cast %get3A_153 : vector<1x16xf32> to vector<16xf32>
      %get3A_155 = arith.index_cast %scan3A_124 : i32 to index
      %get3A_156 = arith.constant 16 : index
      %get3A_157 = tpu.vector_load %arg15[%get3A_155, %get3A_156] {strides = array<i32>} : memref<128x64xf32, #tpu.memory_space<vmem>>, vector<1x16xf32>,
      %get3A_158 = vector.shape_cast %get3A_157 : vector<1x16xf32> to vector<16xf32>
      %add3A_159 = arith.addf %get3A_154, %get3A_158 : vector<16xf32>
      %get3A_160 = arith.index_cast %scan3A_124 : i32 to index
      %get3A_161 = arith.constant 16 : index
      %get3A_162 = tpu.vector_load %arg16[%get3A_160, %get3A_161] {strides = array<i32>} : memref<128x64xf32, #tpu.memory_space<vmem>>, vector<1x16xf32>,
      %get3A_163 = vector.shape_cast %get3A_162 : vector<1x16xf32> to vector<16xf32>
      %sub3A_164 = arith.subf %add3A_159, %get3A_163 : vector<16xf32>
      %swap3A_165 = arith.index_cast %scan3A_124 : i32 to index
      %swap3A_166 = arith.constant 16 : index
      %swap3A_167 = tpu.vector_load %arg16[%swap3A_165, %swap3A_166] {strides = array<i32>} : memref<128x64xf32, #tpu.memory_space<vmem>>, vector<1x16xf32>,
      %swap3A_168 = vector.shape_cast %swap3A_167 : vector<1x16xf32> to vector<16xf32>
      %swap3A_169 = vector.shape_cast %sub3A_164 : vector<16xf32> to vector<1x16xf32>
      tpu.vector_store %arg16[%swap3A_165, %swap3A_166], %swap3A_169 {strides = array<i32>} : memref<128x64xf32, #tpu.memory_space<vmem>>, vector<1x16xf32>,
      %get3A_170 = arith.index_cast %scan3A_124 : i32 to index
      %get3A_171 = arith.constant 16 : index
      %get3A_172 = tpu.vector_load %arg17[%get3A_170, %get3A_171] {strides = array<i32>} : memref<128x64xf32, #tpu.memory_space<vmem>>, vector<1x16xf32>,
      %get3A_173 = vector.shape_cast %get3A_172 : vector<1x16xf32> to vector<16xf32>
      %sub3A_174 = arith.subf %add3A_159, %get3A_173 : vector<16xf32>
      %swap3A_175 = arith.index_cast %scan3A_124 : i32 to index
      %swap3A_176 = arith.constant 16 : index
      %swap3A_177 = tpu.vector_load %arg17[%swap3A_175, %swap3A_176] {strides = array<i32>} : memref<128x64xf32, #tpu.memory_space<vmem>>, vector<1x16xf32>,
      %swap3A_178 = vector.shape_cast %swap3A_177 : vector<1x16xf32> to vector<16xf32>
      %swap3A_179 = vector.shape_cast %sub3A_174 : vector<16xf32> to vector<1x16xf32>
      tpu.vector_store %arg17[%swap3A_175, %swap3A_176], %swap3A_179 {strides = array<i32>} : memref<128x64xf32, #tpu.memory_space<vmem>>, vector<1x16xf32>,
      %get3A_180 = arith.index_cast %scan3A_124 : i32 to index
      %get3A_181 = arith.constant 32 : index
      %get3A_182 = tpu.vector_load %arg14[%get3A_180, %get3A_181] {strides = array<i32>} : memref<128x64xf32, #tpu.memory_space<vmem>>, vector<1x16xf32>,
      %get3A_183 = vector.shape_cast %get3A_182 : vector<1x16xf32> to vector<16xf32>
      %get3A_184 = arith.index_cast %scan3A_124 : i32 to index
      %get3A_185 = arith.constant 32 : index
      %get3A_186 = tpu.vector_load %arg15[%get3A_184, %get3A_185] {strides = array<i32>} : memref<128x64xf32, #tpu.memory_space<vmem>>, vector<1x16xf32>,
      %get3A_187 = vector.shape_cast %get3A_186 : vector<1x16xf32> to vector<16xf32>
      %add3A_188 = arith.addf %get3A_183, %get3A_187 : vector<16xf32>
      %get3A_189 = arith.index_cast %scan3A_124 : i32 to index
      %get3A_190 = arith.constant 32 : index
      %get3A_191 = tpu.vector_load %arg16[%get3A_189, %get3A_190] {strides = array<i32>} : memref<128x64xf32, #tpu.memory_space<vmem>>, vector<1x16xf32>,
      %get3A_192 = vector.shape_cast %get3A_191 : vector<1x16xf32> to vector<16xf32>
      %sub3A_193 = arith.subf %add3A_188, %get3A_192 : vector<16xf32>
      %swap3A_194 = arith.index_cast %scan3A_124 : i32 to index
      %swap3A_195 = arith.constant 32 : index
      %swap3A_196 = tpu.vector_load %arg16[%swap3A_194, %swap3A_195] {strides = array<i32>} : memref<128x64xf32, #tpu.memory_space<vmem>>, vector<1x16xf32>,
      %swap3A_197 = vector.shape_cast %swap3A_196 : vector<1x16xf32> to vector<16xf32>
      %swap3A_198 = vector.shape_cast %sub3A_193 : vector<16xf32> to vector<1x16xf32>
      tpu.vector_store %arg16[%swap3A_194, %swap3A_195], %swap3A_198 {strides = array<i32>} : memref<128x64xf32, #tpu.memory_space<vmem>>, vector<1x16xf32>,
      %get3A_199 = arith.index_cast %scan3A_124 : i32 to index
      %get3A_200 = arith.constant 32 : index
      %get3A_201 = tpu.vector_load %arg17[%get3A_199, %get3A_200] {strides = array<i32>} : memref<128x64xf32, #tpu.memory_space<vmem>>, vector<1x16xf32>,
      %get3A_202 = vector.shape_cast %get3A_201 : vector<1x16xf32> to vector<16xf32>
      %sub3A_203 = arith.subf %add3A_188, %get3A_202 : vector<16xf32>
      %swap3A_204 = arith.index_cast %scan3A_124 : i32 to index
      %swap3A_205 = arith.constant 32 : index
      %swap3A_206 = tpu.vector_load %arg17[%swap3A_204, %swap3A_205] {strides = array<i32>} : memref<128x64xf32, #tpu.memory_space<vmem>>, vector<1x16xf32>,
      %swap3A_207 = vector.shape_cast %swap3A_206 : vector<1x16xf32> to vector<16xf32>
      %swap3A_208 = vector.shape_cast %sub3A_203 : vector<16xf32> to vector<1x16xf32>
      tpu.vector_store %arg17[%swap3A_204, %swap3A_205], %swap3A_208 {strides = array<i32>} : memref<128x64xf32, #tpu.memory_space<vmem>>, vector<1x16xf32>,
      %get3A_209 = arith.index_cast %scan3A_124 : i32 to index
      %get3A_210 = arith.constant 48 : index
      %get3A_211 = tpu.vector_load %arg14[%get3A_209, %get3A_210] {strides = array<i32>} : memref<128x64xf32, #tpu.memory_space<vmem>>, vector<1x16xf32>,
      %get3A_212 = vector.shape_cast %get3A_211 : vector<1x16xf32> to vector<16xf32>
      %get3A_213 = arith.index_cast %scan3A_124 : i32 to index
      %get3A_214 = arith.constant 48 : index
      %get3A_215 = tpu.vector_load %arg15[%get3A_213, %get3A_214] {strides = array<i32>} : memref<128x64xf32, #tpu.memory_space<vmem>>, vector<1x16xf32>,
      %get3A_216 = vector.shape_cast %get3A_215 : vector<1x16xf32> to vector<16xf32>
      %add3A_217 = arith.addf %get3A_212, %get3A_216 : vector<16xf32>
      %get3A_218 = arith.index_cast %scan3A_124 : i32 to index
      %get3A_219 = arith.constant 48 : index
      %get3A_220 = tpu.vector_load %arg16[%get3A_218, %get3A_219] {strides = array<i32>} : memref<128x64xf32, #tpu.memory_space<vmem>>, vector<1x16xf32>,
      %get3A_221 = vector.shape_cast %get3A_220 : vector<1x16xf32> to vector<16xf32>
      %sub3A_222 = arith.subf %add3A_217, %get3A_221 : vector<16xf32>
      %swap3A_223 = arith.index_cast %scan3A_124 : i32 to index
      %swap3A_224 = arith.constant 48 : index
      %swap3A_225 = tpu.vector_load %arg16[%swap3A_223, %swap3A_224] {strides = array<i32>} : memref<128x64xf32, #tpu.memory_space<vmem>>, vector<1x16xf32>,
      %swap3A_226 = vector.shape_cast %swap3A_225 : vector<1x16xf32> to vector<16xf32>
      %swap3A_227 = vector.shape_cast %sub3A_222 : vector<16xf32> to vector<1x16xf32>
      tpu.vector_store %arg16[%swap3A_223, %swap3A_224], %swap3A_227 {strides = array<i32>} : memref<128x64xf32, #tpu.memory_space<vmem>>, vector<1x16xf32>,
      %get3A_228 = arith.index_cast %scan3A_124 : i32 to index
      %get3A_229 = arith.constant 48 : index
      %get3A_230 = tpu.vector_load %arg17[%get3A_228, %get3A_229] {strides = array<i32>} : memref<128x64xf32, #tpu.memory_space<vmem>>, vector<1x16xf32>,
      %get3A_231 = vector.shape_cast %get3A_230 : vector<1x16xf32> to vector<16xf32>
      %sub3A_232 = arith.subf %add3A_217, %get3A_231 : vector<16xf32>
      %swap3A_233 = arith.index_cast %scan3A_124 : i32 to index
      %swap3A_234 = arith.constant 48 : index
      %swap3A_235 = tpu.vector_load %arg17[%swap3A_233, %swap3A_234] {strides = array<i32>} : memref<128x64xf32, #tpu.memory_space<vmem>>, vector<1x16xf32>,
      %swap3A_236 = vector.shape_cast %swap3A_235 : vector<1x16xf32> to vector<16xf32>
      %swap3A_237 = vector.shape_cast %sub3A_232 : vector<16xf32> to vector<1x16xf32>
      tpu.vector_store %arg17[%swap3A_233, %swap3A_234], %swap3A_237 {strides = array<i32>} : memref<128x64xf32, #tpu.memory_space<vmem>>, vector<1x16xf32>,
    }
    %scan3A_30 = arith.constant 128 : i32
    "tpu.region"() ({
      %run_scoped3A = tpu.sem_alloc : memref<!tpu.dma_semaphore, #tpu.memory_space<semaphore_mem>>
      %dma_start3A_124 = arith.constant 0 : i32
      %dma_start3A_125 = tpu.memref_slice %arg8[%add3A_4, %dma_start3A_124] : memref<16384x64xf32, #tpu.memory_space<hbm>> -> memref<128x64xf32, #tpu.memory_space<hbm>>
      %dma_start3A_126 = arith.constant 0 : i32
      %dma_start3A_127 = tpu.memref_slice %arg8[%add3A_4, %dma_start3A_126] : memref<16384x64xf32, #tpu.memory_space<hbm>> -> memref<128x64xf32, #tpu.memory_space<hbm>>
      tpu.enqueue_dma source(%arg16 : memref<128x64xf32, #tpu.memory_space<vmem>>) target(%dma_start3A_127 : memref<128x64xf32, #tpu.memory_space<hbm>>) target_semaphore(%run_scoped3A : memref<!tpu.dma_semaphore, #tpu.memory_space<semaphore_mem>>)
      %dma_wait3A_128 = arith.constant 0 : i32
      %dma_wait3A_129 = tpu.memref_slice %arg8[%add3A_4, %dma_wait3A_128] : memref<16384x64xf32, #tpu.memory_space<hbm>> -> memref<128x64xf32, #tpu.memory_space<hbm>>
      %dma_wait3A_130 = arith.constant 0 : i32
      %dma_wait3A_131 = tpu.memref_slice %arg8[%add3A_4, %dma_wait3A_130] : memref<16384x64xf32, #tpu.memory_space<hbm>> -> memref<128x64xf32, #tpu.memory_space<hbm>>
      tpu.wait_dma2 semaphore(%run_scoped3A : memref<!tpu.dma_semaphore, #tpu.memory_space<semaphore_mem>>) src(%arg16 : memref<128x64xf32, #tpu.memory_space<vmem>>) dst(%dma_wait3A_131 : memref<128x64xf32, #tpu.memory_space<hbm>>)
      tpu.yield
    }) : () -> ()
    "tpu.region"() ({
      %run_scoped3A = tpu.sem_alloc : memref<!tpu.dma_semaphore, #tpu.memory_space<semaphore_mem>>
      %dma_start3A_124 = arith.constant 0 : i32
      %dma_start3A_125 = tpu.memref_slice %arg9[%add3A_4, %dma_start3A_124] : memref<16384x64xf32, #tpu.memory_space<hbm>> -> memref<128x64xf32, #tpu.memory_space<hbm>>
      %dma_start3A_126 = arith.constant 0 : i32
      %dma_start3A_127 = tpu.memref_slice %arg9[%add3A_4, %dma_start3A_126] : memref<16384x64xf32, #tpu.memory_space<hbm>> -> memref<128x64xf32, #tpu.memory_space<hbm>>
      tpu.enqueue_dma source(%arg17 : memref<128x64xf32, #tpu.memory_space<vmem>>) target(%dma_start3A_127 : memref<128x64xf32, #tpu.memory_space<hbm>>) target_semaphore(%run_scoped3A : memref<!tpu.dma_semaphore, #tpu.memory_space<semaphore_mem>>)
      %dma_wait3A_128 = arith.constant 0 : i32
      %dma_wait3A_129 = tpu.memref_slice %arg9[%add3A_4, %dma_wait3A_128] : memref<16384x64xf32, #tpu.memory_space<hbm>> -> memref<128x64xf32, #tpu.memory_space<hbm>>
      %dma_wait3A_130 = arith.constant 0 : i32
      %dma_wait3A_131 = tpu.memref_slice %arg9[%add3A_4, %dma_wait3A_130] : memref<16384x64xf32, #tpu.memory_space<hbm>> -> memref<128x64xf32, #tpu.memory_space<hbm>>
      tpu.wait_dma2 semaphore(%run_scoped3A : memref<!tpu.dma_semaphore, #tpu.memory_space<semaphore_mem>>) src(%arg17 : memref<128x64xf32, #tpu.memory_space<vmem>>) dst(%dma_wait3A_131 : memref<128x64xf32, #tpu.memory_space<hbm>>)
      tpu.yield
    }) : () -> ()
    %add3A_31 = arith.constant 128 : i32
    %add3A_32 = arith.addi %mul3A_2, %add3A_31 : i32
    "tpu.region"() ({
      %run_scoped3A = tpu.sem_alloc : memref<!tpu.dma_semaphore, #tpu.memory_space<semaphore_mem>>
      %dma_start3A_124 = tpu.memref_slice %arg2[%add3A_32] : memref<16384xi32, #tpu.memory_space<hbm>> -> memref<128xi32, #tpu.memory_space<hbm>>
      %dma_start3A_125 = tpu.memref_slice %arg2[%add3A_32] : memref<16384xi32, #tpu.memory_space<hbm>> -> memref<128xi32, #tpu.memory_space<hbm>>
      tpu.enqueue_dma source(%dma_start3A_125 : memref<128xi32, #tpu.memory_space<hbm>>) target(%arg10 : memref<128xi32, #tpu.memory_space<vmem>>) target_semaphore(%run_scoped3A : memref<!tpu.dma_semaphore, #tpu.memory_space<semaphore_mem>>)
      %dma_wait3A_126 = tpu.memref_slice %arg2[%add3A_32] : memref<16384xi32, #tpu.memory_space<hbm>> -> memref<128xi32, #tpu.memory_space<hbm>>
      %dma_wait3A_127 = tpu.memref_slice %arg2[%add3A_32] : memref<16384xi32, #tpu.memory_space<hbm>> -> memref<128xi32, #tpu.memory_space<hbm>>
      tpu.wait_dma2 semaphore(%run_scoped3A : memref<!tpu.dma_semaphore, #tpu.memory_space<semaphore_mem>>) src(%dma_wait3A_127 : memref<128xi32, #tpu.memory_space<hbm>>) dst(%arg10 : memref<128xi32, #tpu.memory_space<vmem>>)
      tpu.yield
    }) : () -> ()
    "tpu.region"() ({
      %run_scoped3A = tpu.sem_alloc : memref<!tpu.dma_semaphore, #tpu.memory_space<semaphore_mem>>
      %dma_start3A_124 = tpu.memref_slice %arg3[%add3A_32] : memref<16384xi32, #tpu.memory_space<hbm>> -> memref<128xi32, #tpu.memory_space<hbm>>
      %dma_start3A_125 = tpu.memref_slice %arg3[%add3A_32] : memref<16384xi32, #tpu.memory_space<hbm>> -> memref<128xi32, #tpu.memory_space<hbm>>
      tpu.enqueue_dma source(%dma_start3A_125 : memref<128xi32, #tpu.memory_space<hbm>>) target(%arg11 : memref<128xi32, #tpu.memory_space<vmem>>) target_semaphore(%run_scoped3A : memref<!tpu.dma_semaphore, #tpu.memory_space<semaphore_mem>>)
      %dma_wait3A_126 = tpu.memref_slice %arg3[%add3A_32] : memref<16384xi32, #tpu.memory_space<hbm>> -> memref<128xi32, #tpu.memory_space<hbm>>
      %dma_wait3A_127 = tpu.memref_slice %arg3[%add3A_32] : memref<16384xi32, #tpu.memory_space<hbm>> -> memref<128xi32, #tpu.memory_space<hbm>>
      tpu.wait_dma2 semaphore(%run_scoped3A : memref<!tpu.dma_semaphore, #tpu.memory_space<semaphore_mem>>) src(%dma_wait3A_127 : memref<128xi32, #tpu.memory_space<hbm>>) dst(%arg11 : memref<128xi32, #tpu.memory_space<vmem>>)
      tpu.yield
    }) : () -> ()
    "tpu.region"() ({
      %run_scoped3A = tpu.sem_alloc : memref<!tpu.dma_semaphore, #tpu.memory_space<semaphore_mem>>
      %dma_start3A_124 = tpu.memref_slice %arg4[%add3A_32] : memref<16384xi32, #tpu.memory_space<hbm>> -> memref<128xi32, #tpu.memory_space<hbm>>
      %dma_start3A_125 = tpu.memref_slice %arg4[%add3A_32] : memref<16384xi32, #tpu.memory_space<hbm>> -> memref<128xi32, #tpu.memory_space<hbm>>
      tpu.enqueue_dma source(%dma_start3A_125 : memref<128xi32, #tpu.memory_space<hbm>>) target(%arg12 : memref<128xi32, #tpu.memory_space<vmem>>) target_semaphore(%run_scoped3A : memref<!tpu.dma_semaphore, #tpu.memory_space<semaphore_mem>>)
      %dma_wait3A_126 = tpu.memref_slice %arg4[%add3A_32] : memref<16384xi32, #tpu.memory_space<hbm>> -> memref<128xi32, #tpu.memory_space<hbm>>
      %dma_wait3A_127 = tpu.memref_slice %arg4[%add3A_32] : memref<16384xi32, #tpu.memory_space<hbm>> -> memref<128xi32, #tpu.memory_space<hbm>>
      tpu.wait_dma2 semaphore(%run_scoped3A : memref<!tpu.dma_semaphore, #tpu.memory_space<semaphore_mem>>) src(%dma_wait3A_127 : memref<128xi32, #tpu.memory_space<hbm>>) dst(%arg12 : memref<128xi32, #tpu.memory_space<vmem>>)
      tpu.yield
    }) : () -> ()
    "tpu.region"() ({
      %run_scoped3A = tpu.sem_alloc : memref<!tpu.dma_semaphore, #tpu.memory_space<semaphore_mem>>
      %dma_start3A_124 = tpu.memref_slice %arg5[%add3A_32] : memref<16384xi32, #tpu.memory_space<hbm>> -> memref<128xi32, #tpu.memory_space<hbm>>
      %dma_start3A_125 = tpu.memref_slice %arg5[%add3A_32] : memref<16384xi32, #tpu.memory_space<hbm>> -> memref<128xi32, #tpu.memory_space<hbm>>
      tpu.enqueue_dma source(%dma_start3A_125 : memref<128xi32, #tpu.memory_space<hbm>>) target(%arg13 : memref<128xi32, #tpu.memory_space<vmem>>) target_semaphore(%run_scoped3A : memref<!tpu.dma_semaphore, #tpu.memory_space<semaphore_mem>>)
      %dma_wait3A_126 = tpu.memref_slice %arg5[%add3A_32] : memref<16384xi32, #tpu.memory_space<hbm>> -> memref<128xi32, #tpu.memory_space<hbm>>
      %dma_wait3A_127 = tpu.memref_slice %arg5[%add3A_32] : memref<16384xi32, #tpu.memory_space<hbm>> -> memref<128xi32, #tpu.memory_space<hbm>>
      tpu.wait_dma2 semaphore(%run_scoped3A : memref<!tpu.dma_semaphore, #tpu.memory_space<semaphore_mem>>) src(%dma_wait3A_127 : memref<128xi32, #tpu.memory_space<hbm>>) dst(%arg13 : memref<128xi32, #tpu.memory_space<vmem>>)
      tpu.yield
    }) : () -> ()
    %dma_start3A_33 = arith.constant 0 : i32
    %dma_start3A_34 = arith.constant 0 : i32
    %dma_start3A_35 = tpu.memref_slice %arg6[%dma_start3A_33, %dma_start3A_34] : memref<1000000x64xf32, #tpu.memory_space<hbm>> -> memref<1000000x64xf32, #tpu.memory_space<hbm>>
    tpu.enqueue_indirect_dma source(%dma_start3A_35 : memref<1000000x64xf32, #tpu.memory_space<hbm>>) target(%arg14 : memref<128x64xf32, #tpu.memory_space<vmem>>) offsets(%arg10 : memref<128xi32, #tpu.memory_space<vmem>>) semaphore(%arg18 : memref<!tpu.dma_semaphore, #tpu.memory_space<semaphore_mem>>)
    %dma_start3A_36 = arith.constant 0 : i32
    %dma_start3A_37 = arith.constant 0 : i32
    %dma_start3A_38 = tpu.memref_slice %arg7[%dma_start3A_36, %dma_start3A_37] : memref<1000x64xf32, #tpu.memory_space<hbm>> -> memref<1000x64xf32, #tpu.memory_space<hbm>>
    tpu.enqueue_indirect_dma source(%dma_start3A_38 : memref<1000x64xf32, #tpu.memory_space<hbm>>) target(%arg15 : memref<128x64xf32, #tpu.memory_space<vmem>>) offsets(%arg11 : memref<128xi32, #tpu.memory_space<vmem>>) semaphore(%arg18 : memref<!tpu.dma_semaphore, #tpu.memory_space<semaphore_mem>>)
    %dma_start3A_39 = arith.constant 0 : i32
    %dma_start3A_40 = arith.constant 0 : i32
    %dma_start3A_41 = tpu.memref_slice %arg6[%dma_start3A_39, %dma_start3A_40] : memref<1000000x64xf32, #tpu.memory_space<hbm>> -> memref<1000000x64xf32, #tpu.memory_space<hbm>>
    tpu.enqueue_indirect_dma source(%dma_start3A_41 : memref<1000000x64xf32, #tpu.memory_space<hbm>>) target(%arg16 : memref<128x64xf32, #tpu.memory_space<vmem>>) offsets(%arg12 : memref<128xi32, #tpu.memory_space<vmem>>) semaphore(%arg18 : memref<!tpu.dma_semaphore, #tpu.memory_space<semaphore_mem>>)
    %dma_start3A_42 = arith.constant 0 : i32
    %dma_start3A_43 = arith.constant 0 : i32
    %dma_start3A_44 = tpu.memref_slice %arg6[%dma_start3A_42, %dma_start3A_43] : memref<1000000x64xf32, #tpu.memory_space<hbm>> -> memref<1000000x64xf32, #tpu.memory_space<hbm>>
    tpu.enqueue_indirect_dma source(%dma_start3A_44 : memref<1000000x64xf32, #tpu.memory_space<hbm>>) target(%arg17 : memref<128x64xf32, #tpu.memory_space<vmem>>) offsets(%arg13 : memref<128xi32, #tpu.memory_space<vmem>>) semaphore(%arg18 : memref<!tpu.dma_semaphore, #tpu.memory_space<semaphore_mem>>)
    %dma_wait3A_45 = arith.constant 0 : i32
    %dma_wait3A_46 = arith.constant 0 : i32
    %dma_wait3A_47 = tpu.memref_slice %arg6[%dma_wait3A_45, %dma_wait3A_46] : memref<1000000x64xf32, #tpu.memory_space<hbm>> -> memref<1000000x64xf32, #tpu.memory_space<hbm>>
    tpu.wait_indirect_dma semaphore(%arg18 : memref<!tpu.dma_semaphore, #tpu.memory_space<semaphore_mem>>) src(%dma_wait3A_47 : memref<1000000x64xf32, #tpu.memory_space<hbm>>) dst(%arg14 : memref<128x64xf32, #tpu.memory_space<vmem>>)
    %dma_wait3A_48 = arith.constant 0 : i32
    %dma_wait3A_49 = arith.constant 0 : i32
    %dma_wait3A_50 = tpu.memref_slice %arg7[%dma_wait3A_48, %dma_wait3A_49] : memref<1000x64xf32, #tpu.memory_space<hbm>> -> memref<1000x64xf32, #tpu.memory_space<hbm>>
    tpu.wait_indirect_dma semaphore(%arg18 : memref<!tpu.dma_semaphore, #tpu.memory_space<semaphore_mem>>) src(%dma_wait3A_50 : memref<1000x64xf32, #tpu.memory_space<hbm>>) dst(%arg15 : memref<128x64xf32, #tpu.memory_space<vmem>>)
    %dma_wait3A_51 = arith.constant 0 : i32
    %dma_wait3A_52 = arith.constant 0 : i32
    %dma_wait3A_53 = tpu.memref_slice %arg6[%dma_wait3A_51, %dma_wait3A_52] : memref<1000000x64xf32, #tpu.memory_space<hbm>> -> memref<1000000x64xf32, #tpu.memory_space<hbm>>
    tpu.wait_indirect_dma semaphore(%arg18 : memref<!tpu.dma_semaphore, #tpu.memory_space<semaphore_mem>>) src(%dma_wait3A_53 : memref<1000000x64xf32, #tpu.memory_space<hbm>>) dst(%arg16 : memref<128x64xf32, #tpu.memory_space<vmem>>)
    %dma_wait3A_54 = arith.constant 0 : i32
    %dma_wait3A_55 = arith.constant 0 : i32
    %dma_wait3A_56 = tpu.memref_slice %arg6[%dma_wait3A_54, %dma_wait3A_55] : memref<1000000x64xf32, #tpu.memory_space<hbm>> -> memref<1000000x64xf32, #tpu.memory_space<hbm>>
    tpu.wait_indirect_dma semaphore(%arg18 : memref<!tpu.dma_semaphore, #tpu.memory_space<semaphore_mem>>) src(%dma_wait3A_56 : memref<1000000x64xf32, #tpu.memory_space<hbm>>) dst(%arg17 : memref<128x64xf32, #tpu.memory_space<vmem>>)
    %scan3A_57 = arith.constant 0 : i32
    %scan3A_58 = arith.constant 128 : i32
    %scan3A_59 = arith.addi %scan3A_57, %scan3A_58 : i32
    %scan3A_60 = arith.constant 1 : i32
    scf.for %scan3A_124 = %scan3A_57 to %scan3A_59 step %scan3A_60  : i32 {
      %get3A = arith.index_cast %scan3A_124 : i32 to index
      %get3A_125 = arith.constant 0 : index
      %get3A_126 = tpu.vector_load %arg14[%get3A, %get3A_125] {strides = array<i32>} : memref<128x64xf32, #tpu.memory_space<vmem>>, vector<1x16xf32>,
      %get3A_127 = vector.shape_cast %get3A_126 : vector<1x16xf32> to vector<16xf32>
      %get3A_128 = arith.index_cast %scan3A_124 : i32 to index
      %get3A_129 = arith.constant 0 : index
      %get3A_130 = tpu.vector_load %arg15[%get3A_128, %get3A_129] {strides = array<i32>} : memref<128x64xf32, #tpu.memory_space<vmem>>, vector<1x16xf32>,
      %get3A_131 = vector.shape_cast %get3A_130 : vector<1x16xf32> to vector<16xf32>
      %add3A_132 = arith.addf %get3A_127, %get3A_131 : vector<16xf32>
      %get3A_133 = arith.index_cast %scan3A_124 : i32 to index
      %get3A_134 = arith.constant 0 : index
      %get3A_135 = tpu.vector_load %arg16[%get3A_133, %get3A_134] {strides = array<i32>} : memref<128x64xf32, #tpu.memory_space<vmem>>, vector<1x16xf32>,
      %get3A_136 = vector.shape_cast %get3A_135 : vector<1x16xf32> to vector<16xf32>
      %sub3A = arith.subf %add3A_132, %get3A_136 : vector<16xf32>
      %swap3A = arith.index_cast %scan3A_124 : i32 to index
      %swap3A_137 = arith.constant 0 : index
      %swap3A_138 = tpu.vector_load %arg16[%swap3A, %swap3A_137] {strides = array<i32>} : memref<128x64xf32, #tpu.memory_space<vmem>>, vector<1x16xf32>,
      %swap3A_139 = vector.shape_cast %swap3A_138 : vector<1x16xf32> to vector<16xf32>
      %swap3A_140 = vector.shape_cast %sub3A : vector<16xf32> to vector<1x16xf32>
      tpu.vector_store %arg16[%swap3A, %swap3A_137], %swap3A_140 {strides = array<i32>} : memref<128x64xf32, #tpu.memory_space<vmem>>, vector<1x16xf32>,
      %get3A_141 = arith.index_cast %scan3A_124 : i32 to index
      %get3A_142 = arith.constant 0 : index
      %get3A_143 = tpu.vector_load %arg17[%get3A_141, %get3A_142] {strides = array<i32>} : memref<128x64xf32, #tpu.memory_space<vmem>>, vector<1x16xf32>,
      %get3A_144 = vector.shape_cast %get3A_143 : vector<1x16xf32> to vector<16xf32>
      %sub3A_145 = arith.subf %add3A_132, %get3A_144 : vector<16xf32>
      %swap3A_146 = arith.index_cast %scan3A_124 : i32 to index
      %swap3A_147 = arith.constant 0 : index
      %swap3A_148 = tpu.vector_load %arg17[%swap3A_146, %swap3A_147] {strides = array<i32>} : memref<128x64xf32, #tpu.memory_space<vmem>>, vector<1x16xf32>,
      %swap3A_149 = vector.shape_cast %swap3A_148 : vector<1x16xf32> to vector<16xf32>
      %swap3A_150 = vector.shape_cast %sub3A_145 : vector<16xf32> to vector<1x16xf32>
      tpu.vector_store %arg17[%swap3A_146, %swap3A_147], %swap3A_150 {strides = array<i32>} : memref<128x64xf32, #tpu.memory_space<vmem>>, vector<1x16xf32>,
      %get3A_151 = arith.index_cast %scan3A_124 : i32 to index
      %get3A_152 = arith.constant 16 : index
      %get3A_153 = tpu.vector_load %arg14[%get3A_151, %get3A_152] {strides = array<i32>} : memref<128x64xf32, #tpu.memory_space<vmem>>, vector<1x16xf32>,
      %get3A_154 = vector.shape_cast %get3A_153 : vector<1x16xf32> to vector<16xf32>
      %get3A_155 = arith.index_cast %scan3A_124 : i32 to index
      %get3A_156 = arith.constant 16 : index
      %get3A_157 = tpu.vector_load %arg15[%get3A_155, %get3A_156] {strides = array<i32>} : memref<128x64xf32, #tpu.memory_space<vmem>>, vector<1x16xf32>,
      %get3A_158 = vector.shape_cast %get3A_157 : vector<1x16xf32> to vector<16xf32>
      %add3A_159 = arith.addf %get3A_154, %get3A_158 : vector<16xf32>
      %get3A_160 = arith.index_cast %scan3A_124 : i32 to index
      %get3A_161 = arith.constant 16 : index
      %get3A_162 = tpu.vector_load %arg16[%get3A_160, %get3A_161] {strides = array<i32>} : memref<128x64xf32, #tpu.memory_space<vmem>>, vector<1x16xf32>,
      %get3A_163 = vector.shape_cast %get3A_162 : vector<1x16xf32> to vector<16xf32>
      %sub3A_164 = arith.subf %add3A_159, %get3A_163 : vector<16xf32>
      %swap3A_165 = arith.index_cast %scan3A_124 : i32 to index
      %swap3A_166 = arith.constant 16 : index
      %swap3A_167 = tpu.vector_load %arg16[%swap3A_165, %swap3A_166] {strides = array<i32>} : memref<128x64xf32, #tpu.memory_space<vmem>>, vector<1x16xf32>,
      %swap3A_168 = vector.shape_cast %swap3A_167 : vector<1x16xf32> to vector<16xf32>
      %swap3A_169 = vector.shape_cast %sub3A_164 : vector<16xf32> to vector<1x16xf32>
      tpu.vector_store %arg16[%swap3A_165, %swap3A_166], %swap3A_169 {strides = array<i32>} : memref<128x64xf32, #tpu.memory_space<vmem>>, vector<1x16xf32>,
      %get3A_170 = arith.index_cast %scan3A_124 : i32 to index
      %get3A_171 = arith.constant 16 : index
      %get3A_172 = tpu.vector_load %arg17[%get3A_170, %get3A_171] {strides = array<i32>} : memref<128x64xf32, #tpu.memory_space<vmem>>, vector<1x16xf32>,
      %get3A_173 = vector.shape_cast %get3A_172 : vector<1x16xf32> to vector<16xf32>
      %sub3A_174 = arith.subf %add3A_159, %get3A_173 : vector<16xf32>
      %swap3A_175 = arith.index_cast %scan3A_124 : i32 to index
      %swap3A_176 = arith.constant 16 : index
      %swap3A_177 = tpu.vector_load %arg17[%swap3A_175, %swap3A_176] {strides = array<i32>} : memref<128x64xf32, #tpu.memory_space<vmem>>, vector<1x16xf32>,
      %swap3A_178 = vector.shape_cast %swap3A_177 : vector<1x16xf32> to vector<16xf32>
      %swap3A_179 = vector.shape_cast %sub3A_174 : vector<16xf32> to vector<1x16xf32>
      tpu.vector_store %arg17[%swap3A_175, %swap3A_176], %swap3A_179 {strides = array<i32>} : memref<128x64xf32, #tpu.memory_space<vmem>>, vector<1x16xf32>,
      %get3A_180 = arith.index_cast %scan3A_124 : i32 to index
      %get3A_181 = arith.constant 32 : index
      %get3A_182 = tpu.vector_load %arg14[%get3A_180, %get3A_181] {strides = array<i32>} : memref<128x64xf32, #tpu.memory_space<vmem>>, vector<1x16xf32>,
      %get3A_183 = vector.shape_cast %get3A_182 : vector<1x16xf32> to vector<16xf32>
      %get3A_184 = arith.index_cast %scan3A_124 : i32 to index
      %get3A_185 = arith.constant 32 : index
      %get3A_186 = tpu.vector_load %arg15[%get3A_184, %get3A_185] {strides = array<i32>} : memref<128x64xf32, #tpu.memory_space<vmem>>, vector<1x16xf32>,
      %get3A_187 = vector.shape_cast %get3A_186 : vector<1x16xf32> to vector<16xf32>
      %add3A_188 = arith.addf %get3A_183, %get3A_187 : vector<16xf32>
      %get3A_189 = arith.index_cast %scan3A_124 : i32 to index
      %get3A_190 = arith.constant 32 : index
      %get3A_191 = tpu.vector_load %arg16[%get3A_189, %get3A_190] {strides = array<i32>} : memref<128x64xf32, #tpu.memory_space<vmem>>, vector<1x16xf32>,
      %get3A_192 = vector.shape_cast %get3A_191 : vector<1x16xf32> to vector<16xf32>
      %sub3A_193 = arith.subf %add3A_188, %get3A_192 : vector<16xf32>
      %swap3A_194 = arith.index_cast %scan3A_124 : i32 to index
      %swap3A_195 = arith.constant 32 : index
      %swap3A_196 = tpu.vector_load %arg16[%swap3A_194, %swap3A_195] {strides = array<i32>} : memref<128x64xf32, #tpu.memory_space<vmem>>, vector<1x16xf32>,
      %swap3A_197 = vector.shape_cast %swap3A_196 : vector<1x16xf32> to vector<16xf32>
      %swap3A_198 = vector.shape_cast %sub3A_193 : vector<16xf32> to vector<1x16xf32>
      tpu.vector_store %arg16[%swap3A_194, %swap3A_195], %swap3A_198 {strides = array<i32>} : memref<128x64xf32, #tpu.memory_space<vmem>>, vector<1x16xf32>,
      %get3A_199 = arith.index_cast %scan3A_124 : i32 to index
      %get3A_200 = arith.constant 32 : index
      %get3A_201 = tpu.vector_load %arg17[%get3A_199, %get3A_200] {strides = array<i32>} : memref<128x64xf32, #tpu.memory_space<vmem>>, vector<1x16xf32>,
      %get3A_202 = vector.shape_cast %get3A_201 : vector<1x16xf32> to vector<16xf32>
      %sub3A_203 = arith.subf %add3A_188, %get3A_202 : vector<16xf32>
      %swap3A_204 = arith.index_cast %scan3A_124 : i32 to index
      %swap3A_205 = arith.constant 32 : index
      %swap3A_206 = tpu.vector_load %arg17[%swap3A_204, %swap3A_205] {strides = array<i32>} : memref<128x64xf32, #tpu.memory_space<vmem>>, vector<1x16xf32>,
      %swap3A_207 = vector.shape_cast %swap3A_206 : vector<1x16xf32> to vector<16xf32>
      %swap3A_208 = vector.shape_cast %sub3A_203 : vector<16xf32> to vector<1x16xf32>
      tpu.vector_store %arg17[%swap3A_204, %swap3A_205], %swap3A_208 {strides = array<i32>} : memref<128x64xf32, #tpu.memory_space<vmem>>, vector<1x16xf32>,
      %get3A_209 = arith.index_cast %scan3A_124 : i32 to index
      %get3A_210 = arith.constant 48 : index
      %get3A_211 = tpu.vector_load %arg14[%get3A_209, %get3A_210] {strides = array<i32>} : memref<128x64xf32, #tpu.memory_space<vmem>>, vector<1x16xf32>,
      %get3A_212 = vector.shape_cast %get3A_211 : vector<1x16xf32> to vector<16xf32>
      %get3A_213 = arith.index_cast %scan3A_124 : i32 to index
      %get3A_214 = arith.constant 48 : index
      %get3A_215 = tpu.vector_load %arg15[%get3A_213, %get3A_214] {strides = array<i32>} : memref<128x64xf32, #tpu.memory_space<vmem>>, vector<1x16xf32>,
      %get3A_216 = vector.shape_cast %get3A_215 : vector<1x16xf32> to vector<16xf32>
      %add3A_217 = arith.addf %get3A_212, %get3A_216 : vector<16xf32>
      %get3A_218 = arith.index_cast %scan3A_124 : i32 to index
      %get3A_219 = arith.constant 48 : index
      %get3A_220 = tpu.vector_load %arg16[%get3A_218, %get3A_219] {strides = array<i32>} : memref<128x64xf32, #tpu.memory_space<vmem>>, vector<1x16xf32>,
      %get3A_221 = vector.shape_cast %get3A_220 : vector<1x16xf32> to vector<16xf32>
      %sub3A_222 = arith.subf %add3A_217, %get3A_221 : vector<16xf32>
      %swap3A_223 = arith.index_cast %scan3A_124 : i32 to index
      %swap3A_224 = arith.constant 48 : index
      %swap3A_225 = tpu.vector_load %arg16[%swap3A_223, %swap3A_224] {strides = array<i32>} : memref<128x64xf32, #tpu.memory_space<vmem>>, vector<1x16xf32>,
      %swap3A_226 = vector.shape_cast %swap3A_225 : vector<1x16xf32> to vector<16xf32>
      %swap3A_227 = vector.shape_cast %sub3A_222 : vector<16xf32> to vector<1x16xf32>
      tpu.vector_store %arg16[%swap3A_223, %swap3A_224], %swap3A_227 {strides = array<i32>} : memref<128x64xf32, #tpu.memory_space<vmem>>, vector<1x16xf32>,
      %get3A_228 = arith.index_cast %scan3A_124 : i32 to index
      %get3A_229 = arith.constant 48 : index
      %get3A_230 = tpu.vector_load %arg17[%get3A_228, %get3A_229] {strides = array<i32>} : memref<128x64xf32, #tpu.memory_space<vmem>>, vector<1x16xf32>,
      %get3A_231 = vector.shape_cast %get3A_230 : vector<1x16xf32> to vector<16xf32>
      %sub3A_232 = arith.subf %add3A_217, %get3A_231 : vector<16xf32>
      %swap3A_233 = arith.index_cast %scan3A_124 : i32 to index
      %swap3A_234 = arith.constant 48 : index
      %swap3A_235 = tpu.vector_load %arg17[%swap3A_233, %swap3A_234] {strides = array<i32>} : memref<128x64xf32, #tpu.memory_space<vmem>>, vector<1x16xf32>,
      %swap3A_236 = vector.shape_cast %swap3A_235 : vector<1x16xf32> to vector<16xf32>
      %swap3A_237 = vector.shape_cast %sub3A_232 : vector<16xf32> to vector<1x16xf32>
      tpu.vector_store %arg17[%swap3A_233, %swap3A_234], %swap3A_237 {strides = array<i32>} : memref<128x64xf32, #tpu.memory_space<vmem>>, vector<1x16xf32>,
    }
    %scan3A_61 = arith.constant 128 : i32
    "tpu.region"() ({
      %run_scoped3A = tpu.sem_alloc : memref<!tpu.dma_semaphore, #tpu.memory_space<semaphore_mem>>
      %dma_start3A_124 = arith.constant 0 : i32
      %dma_start3A_125 = tpu.memref_slice %arg8[%add3A_32, %dma_start3A_124] : memref<16384x64xf32, #tpu.memory_space<hbm>> -> memref<128x64xf32, #tpu.memory_space<hbm>>
      %dma_start3A_126 = arith.constant 0 : i32
      %dma_start3A_127 = tpu.memref_slice %arg8[%add3A_32, %dma_start3A_126] : memref<16384x64xf32, #tpu.memory_space<hbm>> -> memref<128x64xf32, #tpu.memory_space<hbm>>
      tpu.enqueue_dma source(%arg16 : memref<128x64xf32, #tpu.memory_space<vmem>>) target(%dma_start3A_127 : memref<128x64xf32, #tpu.memory_space<hbm>>) target_semaphore(%run_scoped3A : memref<!tpu.dma_semaphore, #tpu.memory_space<semaphore_mem>>)
      %dma_wait3A_128 = arith.constant 0 : i32
      %dma_wait3A_129 = tpu.memref_slice %arg8[%add3A_32, %dma_wait3A_128] : memref<16384x64xf32, #tpu.memory_space<hbm>> -> memref<128x64xf32, #tpu.memory_space<hbm>>
      %dma_wait3A_130 = arith.constant 0 : i32
      %dma_wait3A_131 = tpu.memref_slice %arg8[%add3A_32, %dma_wait3A_130] : memref<16384x64xf32, #tpu.memory_space<hbm>> -> memref<128x64xf32, #tpu.memory_space<hbm>>
      tpu.wait_dma2 semaphore(%run_scoped3A : memref<!tpu.dma_semaphore, #tpu.memory_space<semaphore_mem>>) src(%arg16 : memref<128x64xf32, #tpu.memory_space<vmem>>) dst(%dma_wait3A_131 : memref<128x64xf32, #tpu.memory_space<hbm>>)
      tpu.yield
    }) : () -> ()
    "tpu.region"() ({
      %run_scoped3A = tpu.sem_alloc : memref<!tpu.dma_semaphore, #tpu.memory_space<semaphore_mem>>
      %dma_start3A_124 = arith.constant 0 : i32
      %dma_start3A_125 = tpu.memref_slice %arg9[%add3A_32, %dma_start3A_124] : memref<16384x64xf32, #tpu.memory_space<hbm>> -> memref<128x64xf32, #tpu.memory_space<hbm>>
      %dma_start3A_126 = arith.constant 0 : i32
      %dma_start3A_127 = tpu.memref_slice %arg9[%add3A_32, %dma_start3A_126] : memref<16384x64xf32, #tpu.memory_space<hbm>> -> memref<128x64xf32, #tpu.memory_space<hbm>>
      tpu.enqueue_dma source(%arg17 : memref<128x64xf32, #tpu.memory_space<vmem>>) target(%dma_start3A_127 : memref<128x64xf32, #tpu.memory_space<hbm>>) target_semaphore(%run_scoped3A : memref<!tpu.dma_semaphore, #tpu.memory_space<semaphore_mem>>)
      %dma_wait3A_128 = arith.constant 0 : i32
      %dma_wait3A_129 = tpu.memref_slice %arg9[%add3A_32, %dma_wait3A_128] : memref<16384x64xf32, #tpu.memory_space<hbm>> -> memref<128x64xf32, #tpu.memory_space<hbm>>
      %dma_wait3A_130 = arith.constant 0 : i32
      %dma_wait3A_131 = tpu.memref_slice %arg9[%add3A_32, %dma_wait3A_130] : memref<16384x64xf32, #tpu.memory_space<hbm>> -> memref<128x64xf32, #tpu.memory_space<hbm>>
      tpu.wait_dma2 semaphore(%run_scoped3A : memref<!tpu.dma_semaphore, #tpu.memory_space<semaphore_mem>>) src(%arg17 : memref<128x64xf32, #tpu.memory_space<vmem>>) dst(%dma_wait3A_131 : memref<128x64xf32, #tpu.memory_space<hbm>>)
      tpu.yield
    }) : () -> ()
    %add3A_62 = arith.constant 256 : i32
    %add3A_63 = arith.addi %mul3A_2, %add3A_62 : i32
    "tpu.region"() ({
      %run_scoped3A = tpu.sem_alloc : memref<!tpu.dma_semaphore, #tpu.memory_space<semaphore_mem>>
      %dma_start3A_124 = tpu.memref_slice %arg2[%add3A_63] : memref<16384xi32, #tpu.memory_space<hbm>> -> memref<128xi32, #tpu.memory_space<hbm>>
      %dma_start3A_125 = tpu.memref_slice %arg2[%add3A_63] : memref<16384xi32, #tpu.memory_space<hbm>> -> memref<128xi32, #tpu.memory_space<hbm>>
      tpu.enqueue_dma source(%dma_start3A_125 : memref<128xi32, #tpu.memory_space<hbm>>) target(%arg10 : memref<128xi32, #tpu.memory_space<vmem>>) target_semaphore(%run_scoped3A : memref<!tpu.dma_semaphore, #tpu.memory_space<semaphore_mem>>)
      %dma_wait3A_126 = tpu.memref_slice %arg2[%add3A_63] : memref<16384xi32, #tpu.memory_space<hbm>> -> memref<128xi32, #tpu.memory_space<hbm>>
      %dma_wait3A_127 = tpu.memref_slice %arg2[%add3A_63] : memref<16384xi32, #tpu.memory_space<hbm>> -> memref<128xi32, #tpu.memory_space<hbm>>
      tpu.wait_dma2 semaphore(%run_scoped3A : memref<!tpu.dma_semaphore, #tpu.memory_space<semaphore_mem>>) src(%dma_wait3A_127 : memref<128xi32, #tpu.memory_space<hbm>>) dst(%arg10 : memref<128xi32, #tpu.memory_space<vmem>>)
      tpu.yield
    }) : () -> ()
    "tpu.region"() ({
      %run_scoped3A = tpu.sem_alloc : memref<!tpu.dma_semaphore, #tpu.memory_space<semaphore_mem>>
      %dma_start3A_124 = tpu.memref_slice %arg3[%add3A_63] : memref<16384xi32, #tpu.memory_space<hbm>> -> memref<128xi32, #tpu.memory_space<hbm>>
      %dma_start3A_125 = tpu.memref_slice %arg3[%add3A_63] : memref<16384xi32, #tpu.memory_space<hbm>> -> memref<128xi32, #tpu.memory_space<hbm>>
      tpu.enqueue_dma source(%dma_start3A_125 : memref<128xi32, #tpu.memory_space<hbm>>) target(%arg11 : memref<128xi32, #tpu.memory_space<vmem>>) target_semaphore(%run_scoped3A : memref<!tpu.dma_semaphore, #tpu.memory_space<semaphore_mem>>)
      %dma_wait3A_126 = tpu.memref_slice %arg3[%add3A_63] : memref<16384xi32, #tpu.memory_space<hbm>> -> memref<128xi32, #tpu.memory_space<hbm>>
      %dma_wait3A_127 = tpu.memref_slice %arg3[%add3A_63] : memref<16384xi32, #tpu.memory_space<hbm>> -> memref<128xi32, #tpu.memory_space<hbm>>
      tpu.wait_dma2 semaphore(%run_scoped3A : memref<!tpu.dma_semaphore, #tpu.memory_space<semaphore_mem>>) src(%dma_wait3A_127 : memref<128xi32, #tpu.memory_space<hbm>>) dst(%arg11 : memref<128xi32, #tpu.memory_space<vmem>>)
      tpu.yield
    }) : () -> ()
    "tpu.region"() ({
      %run_scoped3A = tpu.sem_alloc : memref<!tpu.dma_semaphore, #tpu.memory_space<semaphore_mem>>
      %dma_start3A_124 = tpu.memref_slice %arg4[%add3A_63] : memref<16384xi32, #tpu.memory_space<hbm>> -> memref<128xi32, #tpu.memory_space<hbm>>
      %dma_start3A_125 = tpu.memref_slice %arg4[%add3A_63] : memref<16384xi32, #tpu.memory_space<hbm>> -> memref<128xi32, #tpu.memory_space<hbm>>
      tpu.enqueue_dma source(%dma_start3A_125 : memref<128xi32, #tpu.memory_space<hbm>>) target(%arg12 : memref<128xi32, #tpu.memory_space<vmem>>) target_semaphore(%run_scoped3A : memref<!tpu.dma_semaphore, #tpu.memory_space<semaphore_mem>>)
      %dma_wait3A_126 = tpu.memref_slice %arg4[%add3A_63] : memref<16384xi32, #tpu.memory_space<hbm>> -> memref<128xi32, #tpu.memory_space<hbm>>
      %dma_wait3A_127 = tpu.memref_slice %arg4[%add3A_63] : memref<16384xi32, #tpu.memory_space<hbm>> -> memref<128xi32, #tpu.memory_space<hbm>>
      tpu.wait_dma2 semaphore(%run_scoped3A : memref<!tpu.dma_semaphore, #tpu.memory_space<semaphore_mem>>) src(%dma_wait3A_127 : memref<128xi32, #tpu.memory_space<hbm>>) dst(%arg12 : memref<128xi32, #tpu.memory_space<vmem>>)
      tpu.yield
    }) : () -> ()
    "tpu.region"() ({
      %run_scoped3A = tpu.sem_alloc : memref<!tpu.dma_semaphore, #tpu.memory_space<semaphore_mem>>
      %dma_start3A_124 = tpu.memref_slice %arg5[%add3A_63] : memref<16384xi32, #tpu.memory_space<hbm>> -> memref<128xi32, #tpu.memory_space<hbm>>
      %dma_start3A_125 = tpu.memref_slice %arg5[%add3A_63] : memref<16384xi32, #tpu.memory_space<hbm>> -> memref<128xi32, #tpu.memory_space<hbm>>
      tpu.enqueue_dma source(%dma_start3A_125 : memref<128xi32, #tpu.memory_space<hbm>>) target(%arg13 : memref<128xi32, #tpu.memory_space<vmem>>) target_semaphore(%run_scoped3A : memref<!tpu.dma_semaphore, #tpu.memory_space<semaphore_mem>>)
      %dma_wait3A_126 = tpu.memref_slice %arg5[%add3A_63] : memref<16384xi32, #tpu.memory_space<hbm>> -> memref<128xi32, #tpu.memory_space<hbm>>
      %dma_wait3A_127 = tpu.memref_slice %arg5[%add3A_63] : memref<16384xi32, #tpu.memory_space<hbm>> -> memref<128xi32, #tpu.memory_space<hbm>>
      tpu.wait_dma2 semaphore(%run_scoped3A : memref<!tpu.dma_semaphore, #tpu.memory_space<semaphore_mem>>) src(%dma_wait3A_127 : memref<128xi32, #tpu.memory_space<hbm>>) dst(%arg13 : memref<128xi32, #tpu.memory_space<vmem>>)
      tpu.yield
    }) : () -> ()
    %dma_start3A_64 = arith.constant 0 : i32
    %dma_start3A_65 = arith.constant 0 : i32
    %dma_start3A_66 = tpu.memref_slice %arg6[%dma_start3A_64, %dma_start3A_65] : memref<1000000x64xf32, #tpu.memory_space<hbm>> -> memref<1000000x64xf32, #tpu.memory_space<hbm>>
    tpu.enqueue_indirect_dma source(%dma_start3A_66 : memref<1000000x64xf32, #tpu.memory_space<hbm>>) target(%arg14 : memref<128x64xf32, #tpu.memory_space<vmem>>) offsets(%arg10 : memref<128xi32, #tpu.memory_space<vmem>>) semaphore(%arg18 : memref<!tpu.dma_semaphore, #tpu.memory_space<semaphore_mem>>)
    %dma_start3A_67 = arith.constant 0 : i32
    %dma_start3A_68 = arith.constant 0 : i32
    %dma_start3A_69 = tpu.memref_slice %arg7[%dma_start3A_67, %dma_start3A_68] : memref<1000x64xf32, #tpu.memory_space<hbm>> -> memref<1000x64xf32, #tpu.memory_space<hbm>>
    tpu.enqueue_indirect_dma source(%dma_start3A_69 : memref<1000x64xf32, #tpu.memory_space<hbm>>) target(%arg15 : memref<128x64xf32, #tpu.memory_space<vmem>>) offsets(%arg11 : memref<128xi32, #tpu.memory_space<vmem>>) semaphore(%arg18 : memref<!tpu.dma_semaphore, #tpu.memory_space<semaphore_mem>>)
    %dma_start3A_70 = arith.constant 0 : i32
    %dma_start3A_71 = arith.constant 0 : i32
    %dma_start3A_72 = tpu.memref_slice %arg6[%dma_start3A_70, %dma_start3A_71] : memref<1000000x64xf32, #tpu.memory_space<hbm>> -> memref<1000000x64xf32, #tpu.memory_space<hbm>>
    tpu.enqueue_indirect_dma source(%dma_start3A_72 : memref<1000000x64xf32, #tpu.memory_space<hbm>>) target(%arg16 : memref<128x64xf32, #tpu.memory_space<vmem>>) offsets(%arg12 : memref<128xi32, #tpu.memory_space<vmem>>) semaphore(%arg18 : memref<!tpu.dma_semaphore, #tpu.memory_space<semaphore_mem>>)
    %dma_start3A_73 = arith.constant 0 : i32
    %dma_start3A_74 = arith.constant 0 : i32
    %dma_start3A_75 = tpu.memref_slice %arg6[%dma_start3A_73, %dma_start3A_74] : memref<1000000x64xf32, #tpu.memory_space<hbm>> -> memref<1000000x64xf32, #tpu.memory_space<hbm>>
    tpu.enqueue_indirect_dma source(%dma_start3A_75 : memref<1000000x64xf32, #tpu.memory_space<hbm>>) target(%arg17 : memref<128x64xf32, #tpu.memory_space<vmem>>) offsets(%arg13 : memref<128xi32, #tpu.memory_space<vmem>>) semaphore(%arg18 : memref<!tpu.dma_semaphore, #tpu.memory_space<semaphore_mem>>)
    %dma_wait3A_76 = arith.constant 0 : i32
    %dma_wait3A_77 = arith.constant 0 : i32
    %dma_wait3A_78 = tpu.memref_slice %arg6[%dma_wait3A_76, %dma_wait3A_77] : memref<1000000x64xf32, #tpu.memory_space<hbm>> -> memref<1000000x64xf32, #tpu.memory_space<hbm>>
    tpu.wait_indirect_dma semaphore(%arg18 : memref<!tpu.dma_semaphore, #tpu.memory_space<semaphore_mem>>) src(%dma_wait3A_78 : memref<1000000x64xf32, #tpu.memory_space<hbm>>) dst(%arg14 : memref<128x64xf32, #tpu.memory_space<vmem>>)
    %dma_wait3A_79 = arith.constant 0 : i32
    %dma_wait3A_80 = arith.constant 0 : i32
    %dma_wait3A_81 = tpu.memref_slice %arg7[%dma_wait3A_79, %dma_wait3A_80] : memref<1000x64xf32, #tpu.memory_space<hbm>> -> memref<1000x64xf32, #tpu.memory_space<hbm>>
    tpu.wait_indirect_dma semaphore(%arg18 : memref<!tpu.dma_semaphore, #tpu.memory_space<semaphore_mem>>) src(%dma_wait3A_81 : memref<1000x64xf32, #tpu.memory_space<hbm>>) dst(%arg15 : memref<128x64xf32, #tpu.memory_space<vmem>>)
    %dma_wait3A_82 = arith.constant 0 : i32
    %dma_wait3A_83 = arith.constant 0 : i32
    %dma_wait3A_84 = tpu.memref_slice %arg6[%dma_wait3A_82, %dma_wait3A_83] : memref<1000000x64xf32, #tpu.memory_space<hbm>> -> memref<1000000x64xf32, #tpu.memory_space<hbm>>
    tpu.wait_indirect_dma semaphore(%arg18 : memref<!tpu.dma_semaphore, #tpu.memory_space<semaphore_mem>>) src(%dma_wait3A_84 : memref<1000000x64xf32, #tpu.memory_space<hbm>>) dst(%arg16 : memref<128x64xf32, #tpu.memory_space<vmem>>)
    %dma_wait3A_85 = arith.constant 0 : i32
    %dma_wait3A_86 = arith.constant 0 : i32
    %dma_wait3A_87 = tpu.memref_slice %arg6[%dma_wait3A_85, %dma_wait3A_86] : memref<1000000x64xf32, #tpu.memory_space<hbm>> -> memref<1000000x64xf32, #tpu.memory_space<hbm>>
    tpu.wait_indirect_dma semaphore(%arg18 : memref<!tpu.dma_semaphore, #tpu.memory_space<semaphore_mem>>) src(%dma_wait3A_87 : memref<1000000x64xf32, #tpu.memory_space<hbm>>) dst(%arg17 : memref<128x64xf32, #tpu.memory_space<vmem>>)
    %scan3A_88 = arith.constant 0 : i32
    %scan3A_89 = arith.constant 128 : i32
    %scan3A_90 = arith.addi %scan3A_88, %scan3A_89 : i32
    %scan3A_91 = arith.constant 1 : i32
    scf.for %scan3A_124 = %scan3A_88 to %scan3A_90 step %scan3A_91  : i32 {
      %get3A = arith.index_cast %scan3A_124 : i32 to index
      %get3A_125 = arith.constant 0 : index
      %get3A_126 = tpu.vector_load %arg14[%get3A, %get3A_125] {strides = array<i32>} : memref<128x64xf32, #tpu.memory_space<vmem>>, vector<1x16xf32>,
      %get3A_127 = vector.shape_cast %get3A_126 : vector<1x16xf32> to vector<16xf32>
      %get3A_128 = arith.index_cast %scan3A_124 : i32 to index
      %get3A_129 = arith.constant 0 : index
      %get3A_130 = tpu.vector_load %arg15[%get3A_128, %get3A_129] {strides = array<i32>} : memref<128x64xf32, #tpu.memory_space<vmem>>, vector<1x16xf32>,
      %get3A_131 = vector.shape_cast %get3A_130 : vector<1x16xf32> to vector<16xf32>
      %add3A_132 = arith.addf %get3A_127, %get3A_131 : vector<16xf32>
      %get3A_133 = arith.index_cast %scan3A_124 : i32 to index
      %get3A_134 = arith.constant 0 : index
      %get3A_135 = tpu.vector_load %arg16[%get3A_133, %get3A_134] {strides = array<i32>} : memref<128x64xf32, #tpu.memory_space<vmem>>, vector<1x16xf32>,
      %get3A_136 = vector.shape_cast %get3A_135 : vector<1x16xf32> to vector<16xf32>
      %sub3A = arith.subf %add3A_132, %get3A_136 : vector<16xf32>
      %swap3A = arith.index_cast %scan3A_124 : i32 to index
      %swap3A_137 = arith.constant 0 : index
      %swap3A_138 = tpu.vector_load %arg16[%swap3A, %swap3A_137] {strides = array<i32>} : memref<128x64xf32, #tpu.memory_space<vmem>>, vector<1x16xf32>,
      %swap3A_139 = vector.shape_cast %swap3A_138 : vector<1x16xf32> to vector<16xf32>
      %swap3A_140 = vector.shape_cast %sub3A : vector<16xf32> to vector<1x16xf32>
      tpu.vector_store %arg16[%swap3A, %swap3A_137], %swap3A_140 {strides = array<i32>} : memref<128x64xf32, #tpu.memory_space<vmem>>, vector<1x16xf32>,
      %get3A_141 = arith.index_cast %scan3A_124 : i32 to index
      %get3A_142 = arith.constant 0 : index
      %get3A_143 = tpu.vector_load %arg17[%get3A_141, %get3A_142] {strides = array<i32>} : memref<128x64xf32, #tpu.memory_space<vmem>>, vector<1x16xf32>,
      %get3A_144 = vector.shape_cast %get3A_143 : vector<1x16xf32> to vector<16xf32>
      %sub3A_145 = arith.subf %add3A_132, %get3A_144 : vector<16xf32>
      %swap3A_146 = arith.index_cast %scan3A_124 : i32 to index
      %swap3A_147 = arith.constant 0 : index
      %swap3A_148 = tpu.vector_load %arg17[%swap3A_146, %swap3A_147] {strides = array<i32>} : memref<128x64xf32, #tpu.memory_space<vmem>>, vector<1x16xf32>,
      %swap3A_149 = vector.shape_cast %swap3A_148 : vector<1x16xf32> to vector<16xf32>
      %swap3A_150 = vector.shape_cast %sub3A_145 : vector<16xf32> to vector<1x16xf32>
      tpu.vector_store %arg17[%swap3A_146, %swap3A_147], %swap3A_150 {strides = array<i32>} : memref<128x64xf32, #tpu.memory_space<vmem>>, vector<1x16xf32>,
      %get3A_151 = arith.index_cast %scan3A_124 : i32 to index
      %get3A_152 = arith.constant 16 : index
      %get3A_153 = tpu.vector_load %arg14[%get3A_151, %get3A_152] {strides = array<i32>} : memref<128x64xf32, #tpu.memory_space<vmem>>, vector<1x16xf32>,
      %get3A_154 = vector.shape_cast %get3A_153 : vector<1x16xf32> to vector<16xf32>
      %get3A_155 = arith.index_cast %scan3A_124 : i32 to index
      %get3A_156 = arith.constant 16 : index
      %get3A_157 = tpu.vector_load %arg15[%get3A_155, %get3A_156] {strides = array<i32>} : memref<128x64xf32, #tpu.memory_space<vmem>>, vector<1x16xf32>,
      %get3A_158 = vector.shape_cast %get3A_157 : vector<1x16xf32> to vector<16xf32>
      %add3A_159 = arith.addf %get3A_154, %get3A_158 : vector<16xf32>
      %get3A_160 = arith.index_cast %scan3A_124 : i32 to index
      %get3A_161 = arith.constant 16 : index
      %get3A_162 = tpu.vector_load %arg16[%get3A_160, %get3A_161] {strides = array<i32>} : memref<128x64xf32, #tpu.memory_space<vmem>>, vector<1x16xf32>,
      %get3A_163 = vector.shape_cast %get3A_162 : vector<1x16xf32> to vector<16xf32>
      %sub3A_164 = arith.subf %add3A_159, %get3A_163 : vector<16xf32>
      %swap3A_165 = arith.index_cast %scan3A_124 : i32 to index
      %swap3A_166 = arith.constant 16 : index
      %swap3A_167 = tpu.vector_load %arg16[%swap3A_165, %swap3A_166] {strides = array<i32>} : memref<128x64xf32, #tpu.memory_space<vmem>>, vector<1x16xf32>,
      %swap3A_168 = vector.shape_cast %swap3A_167 : vector<1x16xf32> to vector<16xf32>
      %swap3A_169 = vector.shape_cast %sub3A_164 : vector<16xf32> to vector<1x16xf32>
      tpu.vector_store %arg16[%swap3A_165, %swap3A_166], %swap3A_169 {strides = array<i32>} : memref<128x64xf32, #tpu.memory_space<vmem>>, vector<1x16xf32>,
      %get3A_170 = arith.index_cast %scan3A_124 : i32 to index
      %get3A_171 = arith.constant 16 : index
      %get3A_172 = tpu.vector_load %arg17[%get3A_170, %get3A_171] {strides = array<i32>} : memref<128x64xf32, #tpu.memory_space<vmem>>, vector<1x16xf32>,
      %get3A_173 = vector.shape_cast %get3A_172 : vector<1x16xf32> to vector<16xf32>
      %sub3A_174 = arith.subf %add3A_159, %get3A_173 : vector<16xf32>
      %swap3A_175 = arith.index_cast %scan3A_124 : i32 to index
      %swap3A_176 = arith.constant 16 : index
      %swap3A_177 = tpu.vector_load %arg17[%swap3A_175, %swap3A_176] {strides = array<i32>} : memref<128x64xf32, #tpu.memory_space<vmem>>, vector<1x16xf32>,
      %swap3A_178 = vector.shape_cast %swap3A_177 : vector<1x16xf32> to vector<16xf32>
      %swap3A_179 = vector.shape_cast %sub3A_174 : vector<16xf32> to vector<1x16xf32>
      tpu.vector_store %arg17[%swap3A_175, %swap3A_176], %swap3A_179 {strides = array<i32>} : memref<128x64xf32, #tpu.memory_space<vmem>>, vector<1x16xf32>,
      %get3A_180 = arith.index_cast %scan3A_124 : i32 to index
      %get3A_181 = arith.constant 32 : index
      %get3A_182 = tpu.vector_load %arg14[%get3A_180, %get3A_181] {strides = array<i32>} : memref<128x64xf32, #tpu.memory_space<vmem>>, vector<1x16xf32>,
      %get3A_183 = vector.shape_cast %get3A_182 : vector<1x16xf32> to vector<16xf32>
      %get3A_184 = arith.index_cast %scan3A_124 : i32 to index
      %get3A_185 = arith.constant 32 : index
      %get3A_186 = tpu.vector_load %arg15[%get3A_184, %get3A_185] {strides = array<i32>} : memref<128x64xf32, #tpu.memory_space<vmem>>, vector<1x16xf32>,
      %get3A_187 = vector.shape_cast %get3A_186 : vector<1x16xf32> to vector<16xf32>
      %add3A_188 = arith.addf %get3A_183, %get3A_187 : vector<16xf32>
      %get3A_189 = arith.index_cast %scan3A_124 : i32 to index
      %get3A_190 = arith.constant 32 : index
      %get3A_191 = tpu.vector_load %arg16[%get3A_189, %get3A_190] {strides = array<i32>} : memref<128x64xf32, #tpu.memory_space<vmem>>, vector<1x16xf32>,
      %get3A_192 = vector.shape_cast %get3A_191 : vector<1x16xf32> to vector<16xf32>
      %sub3A_193 = arith.subf %add3A_188, %get3A_192 : vector<16xf32>
      %swap3A_194 = arith.index_cast %scan3A_124 : i32 to index
      %swap3A_195 = arith.constant 32 : index
      %swap3A_196 = tpu.vector_load %arg16[%swap3A_194, %swap3A_195] {strides = array<i32>} : memref<128x64xf32, #tpu.memory_space<vmem>>, vector<1x16xf32>,
      %swap3A_197 = vector.shape_cast %swap3A_196 : vector<1x16xf32> to vector<16xf32>
      %swap3A_198 = vector.shape_cast %sub3A_193 : vector<16xf32> to vector<1x16xf32>
      tpu.vector_store %arg16[%swap3A_194, %swap3A_195], %swap3A_198 {strides = array<i32>} : memref<128x64xf32, #tpu.memory_space<vmem>>, vector<1x16xf32>,
      %get3A_199 = arith.index_cast %scan3A_124 : i32 to index
      %get3A_200 = arith.constant 32 : index
      %get3A_201 = tpu.vector_load %arg17[%get3A_199, %get3A_200] {strides = array<i32>} : memref<128x64xf32, #tpu.memory_space<vmem>>, vector<1x16xf32>,
      %get3A_202 = vector.shape_cast %get3A_201 : vector<1x16xf32> to vector<16xf32>
      %sub3A_203 = arith.subf %add3A_188, %get3A_202 : vector<16xf32>
      %swap3A_204 = arith.index_cast %scan3A_124 : i32 to index
      %swap3A_205 = arith.constant 32 : index
      %swap3A_206 = tpu.vector_load %arg17[%swap3A_204, %swap3A_205] {strides = array<i32>} : memref<128x64xf32, #tpu.memory_space<vmem>>, vector<1x16xf32>,
      %swap3A_207 = vector.shape_cast %swap3A_206 : vector<1x16xf32> to vector<16xf32>
      %swap3A_208 = vector.shape_cast %sub3A_203 : vector<16xf32> to vector<1x16xf32>
      tpu.vector_store %arg17[%swap3A_204, %swap3A_205], %swap3A_208 {strides = array<i32>} : memref<128x64xf32, #tpu.memory_space<vmem>>, vector<1x16xf32>,
      %get3A_209 = arith.index_cast %scan3A_124 : i32 to index
      %get3A_210 = arith.constant 48 : index
      %get3A_211 = tpu.vector_load %arg14[%get3A_209, %get3A_210] {strides = array<i32>} : memref<128x64xf32, #tpu.memory_space<vmem>>, vector<1x16xf32>,
      %get3A_212 = vector.shape_cast %get3A_211 : vector<1x16xf32> to vector<16xf32>
      %get3A_213 = arith.index_cast %scan3A_124 : i32 to index
      %get3A_214 = arith.constant 48 : index
      %get3A_215 = tpu.vector_load %arg15[%get3A_213, %get3A_214] {strides = array<i32>} : memref<128x64xf32, #tpu.memory_space<vmem>>, vector<1x16xf32>,
      %get3A_216 = vector.shape_cast %get3A_215 : vector<1x16xf32> to vector<16xf32>
      %add3A_217 = arith.addf %get3A_212, %get3A_216 : vector<16xf32>
      %get3A_218 = arith.index_cast %scan3A_124 : i32 to index
      %get3A_219 = arith.constant 48 : index
      %get3A_220 = tpu.vector_load %arg16[%get3A_218, %get3A_219] {strides = array<i32>} : memref<128x64xf32, #tpu.memory_space<vmem>>, vector<1x16xf32>,
      %get3A_221 = vector.shape_cast %get3A_220 : vector<1x16xf32> to vector<16xf32>
      %sub3A_222 = arith.subf %add3A_217, %get3A_221 : vector<16xf32>
      %swap3A_223 = arith.index_cast %scan3A_124 : i32 to index
      %swap3A_224 = arith.constant 48 : index
      %swap3A_225 = tpu.vector_load %arg16[%swap3A_223, %swap3A_224] {strides = array<i32>} : memref<128x64xf32, #tpu.memory_space<vmem>>, vector<1x16xf32>,
      %swap3A_226 = vector.shape_cast %swap3A_225 : vector<1x16xf32> to vector<16xf32>
      %swap3A_227 = vector.shape_cast %sub3A_222 : vector<16xf32> to vector<1x16xf32>
      tpu.vector_store %arg16[%swap3A_223, %swap3A_224], %swap3A_227 {strides = array<i32>} : memref<128x64xf32, #tpu.memory_space<vmem>>, vector<1x16xf32>,
      %get3A_228 = arith.index_cast %scan3A_124 : i32 to index
      %get3A_229 = arith.constant 48 : index
      %get3A_230 = tpu.vector_load %arg17[%get3A_228, %get3A_229] {strides = array<i32>} : memref<128x64xf32, #tpu.memory_space<vmem>>, vector<1x16xf32>,
      %get3A_231 = vector.shape_cast %get3A_230 : vector<1x16xf32> to vector<16xf32>
      %sub3A_232 = arith.subf %add3A_217, %get3A_231 : vector<16xf32>
      %swap3A_233 = arith.index_cast %scan3A_124 : i32 to index
      %swap3A_234 = arith.constant 48 : index
      %swap3A_235 = tpu.vector_load %arg17[%swap3A_233, %swap3A_234] {strides = array<i32>} : memref<128x64xf32, #tpu.memory_space<vmem>>, vector<1x16xf32>,
      %swap3A_236 = vector.shape_cast %swap3A_235 : vector<1x16xf32> to vector<16xf32>
      %swap3A_237 = vector.shape_cast %sub3A_232 : vector<16xf32> to vector<1x16xf32>
      tpu.vector_store %arg17[%swap3A_233, %swap3A_234], %swap3A_237 {strides = array<i32>} : memref<128x64xf32, #tpu.memory_space<vmem>>, vector<1x16xf32>,
    }
    %scan3A_92 = arith.constant 128 : i32
    "tpu.region"() ({
      %run_scoped3A = tpu.sem_alloc : memref<!tpu.dma_semaphore, #tpu.memory_space<semaphore_mem>>
      %dma_start3A_124 = arith.constant 0 : i32
      %dma_start3A_125 = tpu.memref_slice %arg8[%add3A_63, %dma_start3A_124] : memref<16384x64xf32, #tpu.memory_space<hbm>> -> memref<128x64xf32, #tpu.memory_space<hbm>>
      %dma_start3A_126 = arith.constant 0 : i32
      %dma_start3A_127 = tpu.memref_slice %arg8[%add3A_63, %dma_start3A_126] : memref<16384x64xf32, #tpu.memory_space<hbm>> -> memref<128x64xf32, #tpu.memory_space<hbm>>
      tpu.enqueue_dma source(%arg16 : memref<128x64xf32, #tpu.memory_space<vmem>>) target(%dma_start3A_127 : memref<128x64xf32, #tpu.memory_space<hbm>>) target_semaphore(%run_scoped3A : memref<!tpu.dma_semaphore, #tpu.memory_space<semaphore_mem>>)
      %dma_wait3A_128 = arith.constant 0 : i32
      %dma_wait3A_129 = tpu.memref_slice %arg8[%add3A_63, %dma_wait3A_128] : memref<16384x64xf32, #tpu.memory_space<hbm>> -> memref<128x64xf32, #tpu.memory_space<hbm>>
      %dma_wait3A_130 = arith.constant 0 : i32
      %dma_wait3A_131 = tpu.memref_slice %arg8[%add3A_63, %dma_wait3A_130] : memref<16384x64xf32, #tpu.memory_space<hbm>> -> memref<128x64xf32, #tpu.memory_space<hbm>>
      tpu.wait_dma2 semaphore(%run_scoped3A : memref<!tpu.dma_semaphore, #tpu.memory_space<semaphore_mem>>) src(%arg16 : memref<128x64xf32, #tpu.memory_space<vmem>>) dst(%dma_wait3A_131 : memref<128x64xf32, #tpu.memory_space<hbm>>)
      tpu.yield
    }) : () -> ()
    "tpu.region"() ({
      %run_scoped3A = tpu.sem_alloc : memref<!tpu.dma_semaphore, #tpu.memory_space<semaphore_mem>>
      %dma_start3A_124 = arith.constant 0 : i32
      %dma_start3A_125 = tpu.memref_slice %arg9[%add3A_63, %dma_start3A_124] : memref<16384x64xf32, #tpu.memory_space<hbm>> -> memref<128x64xf32, #tpu.memory_space<hbm>>
      %dma_start3A_126 = arith.constant 0 : i32
      %dma_start3A_127 = tpu.memref_slice %arg9[%add3A_63, %dma_start3A_126] : memref<16384x64xf32, #tpu.memory_space<hbm>> -> memref<128x64xf32, #tpu.memory_space<hbm>>
      tpu.enqueue_dma source(%arg17 : memref<128x64xf32, #tpu.memory_space<vmem>>) target(%dma_start3A_127 : memref<128x64xf32, #tpu.memory_space<hbm>>) target_semaphore(%run_scoped3A : memref<!tpu.dma_semaphore, #tpu.memory_space<semaphore_mem>>)
      %dma_wait3A_128 = arith.constant 0 : i32
      %dma_wait3A_129 = tpu.memref_slice %arg9[%add3A_63, %dma_wait3A_128] : memref<16384x64xf32, #tpu.memory_space<hbm>> -> memref<128x64xf32, #tpu.memory_space<hbm>>
      %dma_wait3A_130 = arith.constant 0 : i32
      %dma_wait3A_131 = tpu.memref_slice %arg9[%add3A_63, %dma_wait3A_130] : memref<16384x64xf32, #tpu.memory_space<hbm>> -> memref<128x64xf32, #tpu.memory_space<hbm>>
      tpu.wait_dma2 semaphore(%run_scoped3A : memref<!tpu.dma_semaphore, #tpu.memory_space<semaphore_mem>>) src(%arg17 : memref<128x64xf32, #tpu.memory_space<vmem>>) dst(%dma_wait3A_131 : memref<128x64xf32, #tpu.memory_space<hbm>>)
      tpu.yield
    }) : () -> ()
    %add3A_93 = arith.constant 384 : i32
    %add3A_94 = arith.addi %mul3A_2, %add3A_93 : i32
    "tpu.region"() ({
      %run_scoped3A = tpu.sem_alloc : memref<!tpu.dma_semaphore, #tpu.memory_space<semaphore_mem>>
      %dma_start3A_124 = tpu.memref_slice %arg2[%add3A_94] : memref<16384xi32, #tpu.memory_space<hbm>> -> memref<128xi32, #tpu.memory_space<hbm>>
      %dma_start3A_125 = tpu.memref_slice %arg2[%add3A_94] : memref<16384xi32, #tpu.memory_space<hbm>> -> memref<128xi32, #tpu.memory_space<hbm>>
      tpu.enqueue_dma source(%dma_start3A_125 : memref<128xi32, #tpu.memory_space<hbm>>) target(%arg10 : memref<128xi32, #tpu.memory_space<vmem>>) target_semaphore(%run_scoped3A : memref<!tpu.dma_semaphore, #tpu.memory_space<semaphore_mem>>)
      %dma_wait3A_126 = tpu.memref_slice %arg2[%add3A_94] : memref<16384xi32, #tpu.memory_space<hbm>> -> memref<128xi32, #tpu.memory_space<hbm>>
      %dma_wait3A_127 = tpu.memref_slice %arg2[%add3A_94] : memref<16384xi32, #tpu.memory_space<hbm>> -> memref<128xi32, #tpu.memory_space<hbm>>
      tpu.wait_dma2 semaphore(%run_scoped3A : memref<!tpu.dma_semaphore, #tpu.memory_space<semaphore_mem>>) src(%dma_wait3A_127 : memref<128xi32, #tpu.memory_space<hbm>>) dst(%arg10 : memref<128xi32, #tpu.memory_space<vmem>>)
      tpu.yield
    }) : () -> ()
    "tpu.region"() ({
      %run_scoped3A = tpu.sem_alloc : memref<!tpu.dma_semaphore, #tpu.memory_space<semaphore_mem>>
      %dma_start3A_124 = tpu.memref_slice %arg3[%add3A_94] : memref<16384xi32, #tpu.memory_space<hbm>> -> memref<128xi32, #tpu.memory_space<hbm>>
      %dma_start3A_125 = tpu.memref_slice %arg3[%add3A_94] : memref<16384xi32, #tpu.memory_space<hbm>> -> memref<128xi32, #tpu.memory_space<hbm>>
      tpu.enqueue_dma source(%dma_start3A_125 : memref<128xi32, #tpu.memory_space<hbm>>) target(%arg11 : memref<128xi32, #tpu.memory_space<vmem>>) target_semaphore(%run_scoped3A : memref<!tpu.dma_semaphore, #tpu.memory_space<semaphore_mem>>)
      %dma_wait3A_126 = tpu.memref_slice %arg3[%add3A_94] : memref<16384xi32, #tpu.memory_space<hbm>> -> memref<128xi32, #tpu.memory_space<hbm>>
      %dma_wait3A_127 = tpu.memref_slice %arg3[%add3A_94] : memref<16384xi32, #tpu.memory_space<hbm>> -> memref<128xi32, #tpu.memory_space<hbm>>
      tpu.wait_dma2 semaphore(%run_scoped3A : memref<!tpu.dma_semaphore, #tpu.memory_space<semaphore_mem>>) src(%dma_wait3A_127 : memref<128xi32, #tpu.memory_space<hbm>>) dst(%arg11 : memref<128xi32, #tpu.memory_space<vmem>>)
      tpu.yield
    }) : () -> ()
    "tpu.region"() ({
      %run_scoped3A = tpu.sem_alloc : memref<!tpu.dma_semaphore, #tpu.memory_space<semaphore_mem>>
      %dma_start3A_124 = tpu.memref_slice %arg4[%add3A_94] : memref<16384xi32, #tpu.memory_space<hbm>> -> memref<128xi32, #tpu.memory_space<hbm>>
      %dma_start3A_125 = tpu.memref_slice %arg4[%add3A_94] : memref<16384xi32, #tpu.memory_space<hbm>> -> memref<128xi32, #tpu.memory_space<hbm>>
      tpu.enqueue_dma source(%dma_start3A_125 : memref<128xi32, #tpu.memory_space<hbm>>) target(%arg12 : memref<128xi32, #tpu.memory_space<vmem>>) target_semaphore(%run_scoped3A : memref<!tpu.dma_semaphore, #tpu.memory_space<semaphore_mem>>)
      %dma_wait3A_126 = tpu.memref_slice %arg4[%add3A_94] : memref<16384xi32, #tpu.memory_space<hbm>> -> memref<128xi32, #tpu.memory_space<hbm>>
      %dma_wait3A_127 = tpu.memref_slice %arg4[%add3A_94] : memref<16384xi32, #tpu.memory_space<hbm>> -> memref<128xi32, #tpu.memory_space<hbm>>
      tpu.wait_dma2 semaphore(%run_scoped3A : memref<!tpu.dma_semaphore, #tpu.memory_space<semaphore_mem>>) src(%dma_wait3A_127 : memref<128xi32, #tpu.memory_space<hbm>>) dst(%arg12 : memref<128xi32, #tpu.memory_space<vmem>>)
      tpu.yield
    }) : () -> ()
    "tpu.region"() ({
      %run_scoped3A = tpu.sem_alloc : memref<!tpu.dma_semaphore, #tpu.memory_space<semaphore_mem>>
      %dma_start3A_124 = tpu.memref_slice %arg5[%add3A_94] : memref<16384xi32, #tpu.memory_space<hbm>> -> memref<128xi32, #tpu.memory_space<hbm>>
      %dma_start3A_125 = tpu.memref_slice %arg5[%add3A_94] : memref<16384xi32, #tpu.memory_space<hbm>> -> memref<128xi32, #tpu.memory_space<hbm>>
      tpu.enqueue_dma source(%dma_start3A_125 : memref<128xi32, #tpu.memory_space<hbm>>) target(%arg13 : memref<128xi32, #tpu.memory_space<vmem>>) target_semaphore(%run_scoped3A : memref<!tpu.dma_semaphore, #tpu.memory_space<semaphore_mem>>)
      %dma_wait3A_126 = tpu.memref_slice %arg5[%add3A_94] : memref<16384xi32, #tpu.memory_space<hbm>> -> memref<128xi32, #tpu.memory_space<hbm>>
      %dma_wait3A_127 = tpu.memref_slice %arg5[%add3A_94] : memref<16384xi32, #tpu.memory_space<hbm>> -> memref<128xi32, #tpu.memory_space<hbm>>
      tpu.wait_dma2 semaphore(%run_scoped3A : memref<!tpu.dma_semaphore, #tpu.memory_space<semaphore_mem>>) src(%dma_wait3A_127 : memref<128xi32, #tpu.memory_space<hbm>>) dst(%arg13 : memref<128xi32, #tpu.memory_space<vmem>>)
      tpu.yield
    }) : () -> ()
    %dma_start3A_95 = arith.constant 0 : i32
    %dma_start3A_96 = arith.constant 0 : i32
    %dma_start3A_97 = tpu.memref_slice %arg6[%dma_start3A_95, %dma_start3A_96] : memref<1000000x64xf32, #tpu.memory_space<hbm>> -> memref<1000000x64xf32, #tpu.memory_space<hbm>>
    tpu.enqueue_indirect_dma source(%dma_start3A_97 : memref<1000000x64xf32, #tpu.memory_space<hbm>>) target(%arg14 : memref<128x64xf32, #tpu.memory_space<vmem>>) offsets(%arg10 : memref<128xi32, #tpu.memory_space<vmem>>) semaphore(%arg18 : memref<!tpu.dma_semaphore, #tpu.memory_space<semaphore_mem>>)
    %dma_start3A_98 = arith.constant 0 : i32
    %dma_start3A_99 = arith.constant 0 : i32
    %dma_start3A_100 = tpu.memref_slice %arg7[%dma_start3A_98, %dma_start3A_99] : memref<1000x64xf32, #tpu.memory_space<hbm>> -> memref<1000x64xf32, #tpu.memory_space<hbm>>
    tpu.enqueue_indirect_dma source(%dma_start3A_100 : memref<1000x64xf32, #tpu.memory_space<hbm>>) target(%arg15 : memref<128x64xf32, #tpu.memory_space<vmem>>) offsets(%arg11 : memref<128xi32, #tpu.memory_space<vmem>>) semaphore(%arg18 : memref<!tpu.dma_semaphore, #tpu.memory_space<semaphore_mem>>)
    %dma_start3A_101 = arith.constant 0 : i32
    %dma_start3A_102 = arith.constant 0 : i32
    %dma_start3A_103 = tpu.memref_slice %arg6[%dma_start3A_101, %dma_start3A_102] : memref<1000000x64xf32, #tpu.memory_space<hbm>> -> memref<1000000x64xf32, #tpu.memory_space<hbm>>
    tpu.enqueue_indirect_dma source(%dma_start3A_103 : memref<1000000x64xf32, #tpu.memory_space<hbm>>) target(%arg16 : memref<128x64xf32, #tpu.memory_space<vmem>>) offsets(%arg12 : memref<128xi32, #tpu.memory_space<vmem>>) semaphore(%arg18 : memref<!tpu.dma_semaphore, #tpu.memory_space<semaphore_mem>>)
    %dma_start3A_104 = arith.constant 0 : i32
    %dma_start3A_105 = arith.constant 0 : i32
    %dma_start3A_106 = tpu.memref_slice %arg6[%dma_start3A_104, %dma_start3A_105] : memref<1000000x64xf32, #tpu.memory_space<hbm>> -> memref<1000000x64xf32, #tpu.memory_space<hbm>>
    tpu.enqueue_indirect_dma source(%dma_start3A_106 : memref<1000000x64xf32, #tpu.memory_space<hbm>>) target(%arg17 : memref<128x64xf32, #tpu.memory_space<vmem>>) offsets(%arg13 : memref<128xi32, #tpu.memory_space<vmem>>) semaphore(%arg18 : memref<!tpu.dma_semaphore, #tpu.memory_space<semaphore_mem>>)
    %dma_wait3A_107 = arith.constant 0 : i32
    %dma_wait3A_108 = arith.constant 0 : i32
    %dma_wait3A_109 = tpu.memref_slice %arg6[%dma_wait3A_107, %dma_wait3A_108] : memref<1000000x64xf32, #tpu.memory_space<hbm>> -> memref<1000000x64xf32, #tpu.memory_space<hbm>>
    tpu.wait_indirect_dma semaphore(%arg18 : memref<!tpu.dma_semaphore, #tpu.memory_space<semaphore_mem>>) src(%dma_wait3A_109 : memref<1000000x64xf32, #tpu.memory_space<hbm>>) dst(%arg14 : memref<128x64xf32, #tpu.memory_space<vmem>>)
    %dma_wait3A_110 = arith.constant 0 : i32
    %dma_wait3A_111 = arith.constant 0 : i32
    %dma_wait3A_112 = tpu.memref_slice %arg7[%dma_wait3A_110, %dma_wait3A_111] : memref<1000x64xf32, #tpu.memory_space<hbm>> -> memref<1000x64xf32, #tpu.memory_space<hbm>>
    tpu.wait_indirect_dma semaphore(%arg18 : memref<!tpu.dma_semaphore, #tpu.memory_space<semaphore_mem>>) src(%dma_wait3A_112 : memref<1000x64xf32, #tpu.memory_space<hbm>>) dst(%arg15 : memref<128x64xf32, #tpu.memory_space<vmem>>)
    %dma_wait3A_113 = arith.constant 0 : i32
    %dma_wait3A_114 = arith.constant 0 : i32
    %dma_wait3A_115 = tpu.memref_slice %arg6[%dma_wait3A_113, %dma_wait3A_114] : memref<1000000x64xf32, #tpu.memory_space<hbm>> -> memref<1000000x64xf32, #tpu.memory_space<hbm>>
    tpu.wait_indirect_dma semaphore(%arg18 : memref<!tpu.dma_semaphore, #tpu.memory_space<semaphore_mem>>) src(%dma_wait3A_115 : memref<1000000x64xf32, #tpu.memory_space<hbm>>) dst(%arg16 : memref<128x64xf32, #tpu.memory_space<vmem>>)
    %dma_wait3A_116 = arith.constant 0 : i32
    %dma_wait3A_117 = arith.constant 0 : i32
    %dma_wait3A_118 = tpu.memref_slice %arg6[%dma_wait3A_116, %dma_wait3A_117] : memref<1000000x64xf32, #tpu.memory_space<hbm>> -> memref<1000000x64xf32, #tpu.memory_space<hbm>>
    tpu.wait_indirect_dma semaphore(%arg18 : memref<!tpu.dma_semaphore, #tpu.memory_space<semaphore_mem>>) src(%dma_wait3A_118 : memref<1000000x64xf32, #tpu.memory_space<hbm>>) dst(%arg17 : memref<128x64xf32, #tpu.memory_space<vmem>>)
    %scan3A_119 = arith.constant 0 : i32
    %scan3A_120 = arith.constant 128 : i32
    %scan3A_121 = arith.addi %scan3A_119, %scan3A_120 : i32
    %scan3A_122 = arith.constant 1 : i32
    scf.for %scan3A_124 = %scan3A_119 to %scan3A_121 step %scan3A_122  : i32 {
      %get3A = arith.index_cast %scan3A_124 : i32 to index
      %get3A_125 = arith.constant 0 : index
      %get3A_126 = tpu.vector_load %arg14[%get3A, %get3A_125] {strides = array<i32>} : memref<128x64xf32, #tpu.memory_space<vmem>>, vector<1x16xf32>,
      %get3A_127 = vector.shape_cast %get3A_126 : vector<1x16xf32> to vector<16xf32>
      %get3A_128 = arith.index_cast %scan3A_124 : i32 to index
      %get3A_129 = arith.constant 0 : index
      %get3A_130 = tpu.vector_load %arg15[%get3A_128, %get3A_129] {strides = array<i32>} : memref<128x64xf32, #tpu.memory_space<vmem>>, vector<1x16xf32>,
      %get3A_131 = vector.shape_cast %get3A_130 : vector<1x16xf32> to vector<16xf32>
      %add3A_132 = arith.addf %get3A_127, %get3A_131 : vector<16xf32>
      %get3A_133 = arith.index_cast %scan3A_124 : i32 to index
      %get3A_134 = arith.constant 0 : index
      %get3A_135 = tpu.vector_load %arg16[%get3A_133, %get3A_134] {strides = array<i32>} : memref<128x64xf32, #tpu.memory_space<vmem>>, vector<1x16xf32>,
      %get3A_136 = vector.shape_cast %get3A_135 : vector<1x16xf32> to vector<16xf32>
      %sub3A = arith.subf %add3A_132, %get3A_136 : vector<16xf32>
      %swap3A = arith.index_cast %scan3A_124 : i32 to index
      %swap3A_137 = arith.constant 0 : index
      %swap3A_138 = tpu.vector_load %arg16[%swap3A, %swap3A_137] {strides = array<i32>} : memref<128x64xf32, #tpu.memory_space<vmem>>, vector<1x16xf32>,
      %swap3A_139 = vector.shape_cast %swap3A_138 : vector<1x16xf32> to vector<16xf32>
      %swap3A_140 = vector.shape_cast %sub3A : vector<16xf32> to vector<1x16xf32>
      tpu.vector_store %arg16[%swap3A, %swap3A_137], %swap3A_140 {strides = array<i32>} : memref<128x64xf32, #tpu.memory_space<vmem>>, vector<1x16xf32>,
      %get3A_141 = arith.index_cast %scan3A_124 : i32 to index
      %get3A_142 = arith.constant 0 : index
      %get3A_143 = tpu.vector_load %arg17[%get3A_141, %get3A_142] {strides = array<i32>} : memref<128x64xf32, #tpu.memory_space<vmem>>, vector<1x16xf32>,
      %get3A_144 = vector.shape_cast %get3A_143 : vector<1x16xf32> to vector<16xf32>
      %sub3A_145 = arith.subf %add3A_132, %get3A_144 : vector<16xf32>
      %swap3A_146 = arith.index_cast %scan3A_124 : i32 to index
      %swap3A_147 = arith.constant 0 : index
      %swap3A_148 = tpu.vector_load %arg17[%swap3A_146, %swap3A_147] {strides = array<i32>} : memref<128x64xf32, #tpu.memory_space<vmem>>, vector<1x16xf32>,
      %swap3A_149 = vector.shape_cast %swap3A_148 : vector<1x16xf32> to vector<16xf32>
      %swap3A_150 = vector.shape_cast %sub3A_145 : vector<16xf32> to vector<1x16xf32>
      tpu.vector_store %arg17[%swap3A_146, %swap3A_147], %swap3A_150 {strides = array<i32>} : memref<128x64xf32, #tpu.memory_space<vmem>>, vector<1x16xf32>,
      %get3A_151 = arith.index_cast %scan3A_124 : i32 to index
      %get3A_152 = arith.constant 16 : index
      %get3A_153 = tpu.vector_load %arg14[%get3A_151, %get3A_152] {strides = array<i32>} : memref<128x64xf32, #tpu.memory_space<vmem>>, vector<1x16xf32>,
      %get3A_154 = vector.shape_cast %get3A_153 : vector<1x16xf32> to vector<16xf32>
      %get3A_155 = arith.index_cast %scan3A_124 : i32 to index
      %get3A_156 = arith.constant 16 : index
      %get3A_157 = tpu.vector_load %arg15[%get3A_155, %get3A_156] {strides = array<i32>} : memref<128x64xf32, #tpu.memory_space<vmem>>, vector<1x16xf32>,
      %get3A_158 = vector.shape_cast %get3A_157 : vector<1x16xf32> to vector<16xf32>
      %add3A_159 = arith.addf %get3A_154, %get3A_158 : vector<16xf32>
      %get3A_160 = arith.index_cast %scan3A_124 : i32 to index
      %get3A_161 = arith.constant 16 : index
      %get3A_162 = tpu.vector_load %arg16[%get3A_160, %get3A_161] {strides = array<i32>} : memref<128x64xf32, #tpu.memory_space<vmem>>, vector<1x16xf32>,
      %get3A_163 = vector.shape_cast %get3A_162 : vector<1x16xf32> to vector<16xf32>
      %sub3A_164 = arith.subf %add3A_159, %get3A_163 : vector<16xf32>
      %swap3A_165 = arith.index_cast %scan3A_124 : i32 to index
      %swap3A_166 = arith.constant 16 : index
      %swap3A_167 = tpu.vector_load %arg16[%swap3A_165, %swap3A_166] {strides = array<i32>} : memref<128x64xf32, #tpu.memory_space<vmem>>, vector<1x16xf32>,
      %swap3A_168 = vector.shape_cast %swap3A_167 : vector<1x16xf32> to vector<16xf32>
      %swap3A_169 = vector.shape_cast %sub3A_164 : vector<16xf32> to vector<1x16xf32>
      tpu.vector_store %arg16[%swap3A_165, %swap3A_166], %swap3A_169 {strides = array<i32>} : memref<128x64xf32, #tpu.memory_space<vmem>>, vector<1x16xf32>,
      %get3A_170 = arith.index_cast %scan3A_124 : i32 to index
      %get3A_171 = arith.constant 16 : index
      %get3A_172 = tpu.vector_load %arg17[%get3A_170, %get3A_171] {strides = array<i32>} : memref<128x64xf32, #tpu.memory_space<vmem>>, vector<1x16xf32>,
      %get3A_173 = vector.shape_cast %get3A_172 : vector<1x16xf32> to vector<16xf32>
      %sub3A_174 = arith.subf %add3A_159, %get3A_173 : vector<16xf32>
      %swap3A_175 = arith.index_cast %scan3A_124 : i32 to index
      %swap3A_176 = arith.constant 16 : index
      %swap3A_177 = tpu.vector_load %arg17[%swap3A_175, %swap3A_176] {strides = array<i32>} : memref<128x64xf32, #tpu.memory_space<vmem>>, vector<1x16xf32>,
      %swap3A_178 = vector.shape_cast %swap3A_177 : vector<1x16xf32> to vector<16xf32>
      %swap3A_179 = vector.shape_cast %sub3A_174 : vector<16xf32> to vector<1x16xf32>
      tpu.vector_store %arg17[%swap3A_175, %swap3A_176], %swap3A_179 {strides = array<i32>} : memref<128x64xf32, #tpu.memory_space<vmem>>, vector<1x16xf32>,
      %get3A_180 = arith.index_cast %scan3A_124 : i32 to index
      %get3A_181 = arith.constant 32 : index
      %get3A_182 = tpu.vector_load %arg14[%get3A_180, %get3A_181] {strides = array<i32>} : memref<128x64xf32, #tpu.memory_space<vmem>>, vector<1x16xf32>,
      %get3A_183 = vector.shape_cast %get3A_182 : vector<1x16xf32> to vector<16xf32>
      %get3A_184 = arith.index_cast %scan3A_124 : i32 to index
      %get3A_185 = arith.constant 32 : index
      %get3A_186 = tpu.vector_load %arg15[%get3A_184, %get3A_185] {strides = array<i32>} : memref<128x64xf32, #tpu.memory_space<vmem>>, vector<1x16xf32>,
      %get3A_187 = vector.shape_cast %get3A_186 : vector<1x16xf32> to vector<16xf32>
      %add3A_188 = arith.addf %get3A_183, %get3A_187 : vector<16xf32>
      %get3A_189 = arith.index_cast %scan3A_124 : i32 to index
      %get3A_190 = arith.constant 32 : index
      %get3A_191 = tpu.vector_load %arg16[%get3A_189, %get3A_190] {strides = array<i32>} : memref<128x64xf32, #tpu.memory_space<vmem>>, vector<1x16xf32>,
      %get3A_192 = vector.shape_cast %get3A_191 : vector<1x16xf32> to vector<16xf32>
      %sub3A_193 = arith.subf %add3A_188, %get3A_192 : vector<16xf32>
      %swap3A_194 = arith.index_cast %scan3A_124 : i32 to index
      %swap3A_195 = arith.constant 32 : index
      %swap3A_196 = tpu.vector_load %arg16[%swap3A_194, %swap3A_195] {strides = array<i32>} : memref<128x64xf32, #tpu.memory_space<vmem>>, vector<1x16xf32>,
      %swap3A_197 = vector.shape_cast %swap3A_196 : vector<1x16xf32> to vector<16xf32>
      %swap3A_198 = vector.shape_cast %sub3A_193 : vector<16xf32> to vector<1x16xf32>
      tpu.vector_store %arg16[%swap3A_194, %swap3A_195], %swap3A_198 {strides = array<i32>} : memref<128x64xf32, #tpu.memory_space<vmem>>, vector<1x16xf32>,
      %get3A_199 = arith.index_cast %scan3A_124 : i32 to index
      %get3A_200 = arith.constant 32 : index
      %get3A_201 = tpu.vector_load %arg17[%get3A_199, %get3A_200] {strides = array<i32>} : memref<128x64xf32, #tpu.memory_space<vmem>>, vector<1x16xf32>,
      %get3A_202 = vector.shape_cast %get3A_201 : vector<1x16xf32> to vector<16xf32>
      %sub3A_203 = arith.subf %add3A_188, %get3A_202 : vector<16xf32>
      %swap3A_204 = arith.index_cast %scan3A_124 : i32 to index
      %swap3A_205 = arith.constant 32 : index
      %swap3A_206 = tpu.vector_load %arg17[%swap3A_204, %swap3A_205] {strides = array<i32>} : memref<128x64xf32, #tpu.memory_space<vmem>>, vector<1x16xf32>,
      %swap3A_207 = vector.shape_cast %swap3A_206 : vector<1x16xf32> to vector<16xf32>
      %swap3A_208 = vector.shape_cast %sub3A_203 : vector<16xf32> to vector<1x16xf32>
      tpu.vector_store %arg17[%swap3A_204, %swap3A_205], %swap3A_208 {strides = array<i32>} : memref<128x64xf32, #tpu.memory_space<vmem>>, vector<1x16xf32>,
      %get3A_209 = arith.index_cast %scan3A_124 : i32 to index
      %get3A_210 = arith.constant 48 : index
      %get3A_211 = tpu.vector_load %arg14[%get3A_209, %get3A_210] {strides = array<i32>} : memref<128x64xf32, #tpu.memory_space<vmem>>, vector<1x16xf32>,
      %get3A_212 = vector.shape_cast %get3A_211 : vector<1x16xf32> to vector<16xf32>
      %get3A_213 = arith.index_cast %scan3A_124 : i32 to index
      %get3A_214 = arith.constant 48 : index
      %get3A_215 = tpu.vector_load %arg15[%get3A_213, %get3A_214] {strides = array<i32>} : memref<128x64xf32, #tpu.memory_space<vmem>>, vector<1x16xf32>,
      %get3A_216 = vector.shape_cast %get3A_215 : vector<1x16xf32> to vector<16xf32>
      %add3A_217 = arith.addf %get3A_212, %get3A_216 : vector<16xf32>
      %get3A_218 = arith.index_cast %scan3A_124 : i32 to index
      %get3A_219 = arith.constant 48 : index
      %get3A_220 = tpu.vector_load %arg16[%get3A_218, %get3A_219] {strides = array<i32>} : memref<128x64xf32, #tpu.memory_space<vmem>>, vector<1x16xf32>,
      %get3A_221 = vector.shape_cast %get3A_220 : vector<1x16xf32> to vector<16xf32>
      %sub3A_222 = arith.subf %add3A_217, %get3A_221 : vector<16xf32>
      %swap3A_223 = arith.index_cast %scan3A_124 : i32 to index
      %swap3A_224 = arith.constant 48 : index
      %swap3A_225 = tpu.vector_load %arg16[%swap3A_223, %swap3A_224] {strides = array<i32>} : memref<128x64xf32, #tpu.memory_space<vmem>>, vector<1x16xf32>,
      %swap3A_226 = vector.shape_cast %swap3A_225 : vector<1x16xf32> to vector<16xf32>
      %swap3A_227 = vector.shape_cast %sub3A_222 : vector<16xf32> to vector<1x16xf32>
      tpu.vector_store %arg16[%swap3A_223, %swap3A_224], %swap3A_227 {strides = array<i32>} : memref<128x64xf32, #tpu.memory_space<vmem>>, vector<1x16xf32>,
      %get3A_228 = arith.index_cast %scan3A_124 : i32 to index
      %get3A_229 = arith.constant 48 : index
      %get3A_230 = tpu.vector_load %arg17[%get3A_228, %get3A_229] {strides = array<i32>} : memref<128x64xf32, #tpu.memory_space<vmem>>, vector<1x16xf32>,
      %get3A_231 = vector.shape_cast %get3A_230 : vector<1x16xf32> to vector<16xf32>
      %sub3A_232 = arith.subf %add3A_217, %get3A_231 : vector<16xf32>
      %swap3A_233 = arith.index_cast %scan3A_124 : i32 to index
      %swap3A_234 = arith.constant 48 : index
      %swap3A_235 = tpu.vector_load %arg17[%swap3A_233, %swap3A_234] {strides = array<i32>} : memref<128x64xf32, #tpu.memory_space<vmem>>, vector<1x16xf32>,
      %swap3A_236 = vector.shape_cast %swap3A_235 : vector<1x16xf32> to vector<16xf32>
      %swap3A_237 = vector.shape_cast %sub3A_232 : vector<16xf32> to vector<1x16xf32>
      tpu.vector_store %arg17[%swap3A_233, %swap3A_234], %swap3A_237 {strides = array<i32>} : memref<128x64xf32, #tpu.memory_space<vmem>>, vector<1x16xf32>,
    }
    %scan3A_123 = arith.constant 128 : i32
    "tpu.region"() ({
      %run_scoped3A = tpu.sem_alloc : memref<!tpu.dma_semaphore, #tpu.memory_space<semaphore_mem>>
      %dma_start3A_124 = arith.constant 0 : i32
      %dma_start3A_125 = tpu.memref_slice %arg8[%add3A_94, %dma_start3A_124] : memref<16384x64xf32, #tpu.memory_space<hbm>> -> memref<128x64xf32, #tpu.memory_space<hbm>>
      %dma_start3A_126 = arith.constant 0 : i32
      %dma_start3A_127 = tpu.memref_slice %arg8[%add3A_94, %dma_start3A_126] : memref<16384x64xf32, #tpu.memory_space<hbm>> -> memref<128x64xf32, #tpu.memory_space<hbm>>
      tpu.enqueue_dma source(%arg16 : memref<128x64xf32, #tpu.memory_space<vmem>>) target(%dma_start3A_127 : memref<128x64xf32, #tpu.memory_space<hbm>>) target_semaphore(%run_scoped3A : memref<!tpu.dma_semaphore, #tpu.memory_space<semaphore_mem>>)
      %dma_wait3A_128 = arith.constant 0 : i32
      %dma_wait3A_129 = tpu.memref_slice %arg8[%add3A_94, %dma_wait3A_128] : memref<16384x64xf32, #tpu.memory_space<hbm>> -> memref<128x64xf32, #tpu.memory_space<hbm>>
      %dma_wait3A_130 = arith.constant 0 : i32
      %dma_wait3A_131 = tpu.memref_slice %arg8[%add3A_94, %dma_wait3A_130] : memref<16384x64xf32, #tpu.memory_space<hbm>> -> memref<128x64xf32, #tpu.memory_space<hbm>>
      tpu.wait_dma2 semaphore(%run_scoped3A : memref<!tpu.dma_semaphore, #tpu.memory_space<semaphore_mem>>) src(%arg16 : memref<128x64xf32, #tpu.memory_space<vmem>>) dst(%dma_wait3A_131 : memref<128x64xf32, #tpu.memory_space<hbm>>)
      tpu.yield
    }) : () -> ()
    "tpu.region"() ({
      %run_scoped3A = tpu.sem_alloc : memref<!tpu.dma_semaphore, #tpu.memory_space<semaphore_mem>>
      %dma_start3A_124 = arith.constant 0 : i32
      %dma_start3A_125 = tpu.memref_slice %arg9[%add3A_94, %dma_start3A_124] : memref<16384x64xf32, #tpu.memory_space<hbm>> -> memref<128x64xf32, #tpu.memory_space<hbm>>
      %dma_start3A_126 = arith.constant 0 : i32
      %dma_start3A_127 = tpu.memref_slice %arg9[%add3A_94, %dma_start3A_126] : memref<16384x64xf32, #tpu.memory_space<hbm>> -> memref<128x64xf32, #tpu.memory_space<hbm>>
      tpu.enqueue_dma source(%arg17 : memref<128x64xf32, #tpu.memory_space<vmem>>) target(%dma_start3A_127 : memref<128x64xf32, #tpu.memory_space<hbm>>) target_semaphore(%run_scoped3A : memref<!tpu.dma_semaphore, #tpu.memory_space<semaphore_mem>>)
      %dma_wait3A_128 = arith.constant 0 : i32
      %dma_wait3A_129 = tpu.memref_slice %arg9[%add3A_94, %dma_wait3A_128] : memref<16384x64xf32, #tpu.memory_space<hbm>> -> memref<128x64xf32, #tpu.memory_space<hbm>>
      %dma_wait3A_130 = arith.constant 0 : i32
      %dma_wait3A_131 = tpu.memref_slice %arg9[%add3A_94, %dma_wait3A_130] : memref<16384x64xf32, #tpu.memory_space<hbm>> -> memref<128x64xf32, #tpu.memory_space<hbm>>
      tpu.wait_dma2 semaphore(%run_scoped3A : memref<!tpu.dma_semaphore, #tpu.memory_space<semaphore_mem>>) src(%arg17 : memref<128x64xf32, #tpu.memory_space<vmem>>) dst(%dma_wait3A_131 : memref<128x64xf32, #tpu.memory_space<hbm>>)
      tpu.yield
    }) : () -> ()
    return
  }
}

</mosaic_0001>

<sc_bundles>
// kernel: _transe.3.cloned.1.call-start
scs
__scs_entry_jumppad:
0x0: {  	(pc) =	sbr.rel $0x88, $3  }
0x1: {  	(tag) =	ssettag $0x0;
	lr =	simm.s32 $0x1  }
0x2: {  	[smem:$0x3F9B] =	sst lr;
	_ =	strace $0xD0000000  }
0x3: {  	_ = 	snop  }
0x4: {  	_ = 	snop  }
0x5: {  	_ = 	snop  }
0x6: {  	_ = 	snop  }
0x7: {  	_ = 	snop  }
__scs_overlays_trampoline_lowered:
0x8: {  	[smem:$0x3FAA] =	sst s0  }
0x9: {  	[smem:$0x3FAB] =	sst s1  }
0xa: {  	[smem:$0x3FAC] =	sst s2  }
0xb: {  	[smem:$0x3FAD] =	sst s3  }
0xc: {  	[smem:$0x3FAE] =	sst s4  }
0xd: {  	[smem:$0x3FAF] =	sst s5  }
0xe: {  	[smem:$0x3FB0] =	sst s6  }
0xf: {  	[smem:$0x3FB1] =	sst s7  }
0x10: {  	[smem:$0x3FB2] =	sst s8  }
0x11: {  	[smem:$0x3FB3] =	sst s9;
	s0 =	simm.s32 @!p0 $0x0  }
0x12: {  	s1 =	sld [smem:$0x3F99];
	s0 =	simm.s32 @p0 $0x1  }
0x13: {  	[smem:$0x3FB4] =	sst s0;
	s0 =	simm.s32 @!p1 $0x0  }
0x14: {  	s2 =	sld [smem:$0x3F98];
	s0 =	simm.s32 @p1 $0x1  }
0x15: {  	[smem:$0x3FB5] =	sst s0;
	s0 =	simm.s32 @!p2 $0x0  }
0x16: {  	s3 =	sld [smem:$0x3FDB];
	s0 =	simm.s32 @p2 $0x1  }
0x17: {  	s4 =	simm.s32 $0x1BF5;
	[smem:$0x3FB7] =	sst s0  }
0x18: {  	s0 =	sld [smem:$0x3F9A];
	_ =	swait.ge [sflag:s4], $0x0  }
0x19: {  	s7 =	sld [smem:$0x3F9B]  }
0x1a: {  	s8 =	sadd.s32 $0xFFFFE003, lr  }
0x1b: {  	s9 =	sadd.s32 $0xFFFFFEF7, lr;
	s5 =	simm.s32 $0xFFFFFFFF;
	p2 =	slt.u32 s8, $0xFFFFF086  }
0x1c: {  	p1 =	slt.u32 s9, $0xF7A;
	s5 =	simm.s32 @!p2 $0x0  }
0x1d: {  	s5 =	simm.s32 @p1 $0x1;
	p0 =	seq.s32 s7, s2  }
0x1e: {  	s7 =	smul.u32 @!p0 $0xF7A, s2;
	p2 =	seq.s32 @!p0 s5, $0x0  }
0x1f: {  	s9 =	smul.u32 $0xF7A, s1;
	s8 =	simm.s32 @!p0 $0x1BF5;
	p2 =	por !p2, p0  }
0x20: {  	[sflag:s8] =	ssyncset.s32 @!p0 $0xFFFFF086;
	s6 =	sadd.s32 @!p0 s3, s7;
	s7 =	simm.s32 @!p0 $0x108  }
0x21: {  	s3 =	sadd.s32 s3, s9;
	s6 =	sadd.s32 @!p0 $0x88, s6;
	s7 =	simm.s32 @p2 $0x1082  }
0x22: {  	[simem:s7], [sflag:s8] =	dma.local @!p0 [hbm:s6], $0xF7A  }
0x23: {  	s9 =	sor.u32 $0xD0000000, s2;
	s6 =	simm.s32 $0x108;
	_ =	swait.ge @!p0 [sflag:s8], $0x0  }
0x24: {  	s3 =	sadd.s32 $0x88, s3;
	s6 =	simm.s32 @!p1 $0x1082;
	[sflag:s4] =	ssyncset.s32 $0xFFFFF086  }
0x25: {  	[simem:s6], [sflag:s4] =	dma.local [hbm:s3], $0xF7A  }
0x26: {  	[smem:$0x3F9B] =	sst s1;
	(tag) =	ssettag s2;
	_ =	strace s9  }
0x27: {  	s1 =	sld [smem:$0x3FAB]  }
0x28: {  	s2 =	sld [smem:$0x3FAC]  }
0x29: {  	s4 =	sld [smem:$0x3FAE]  }
0x2a: {  	p0 =	seq.s32 s5, $0x0;
	s5 =	sld [smem:$0x3FAF]  }
0x2b: {  	s6 =	sld [smem:$0x3FB0]  }
0x2c: {  	s7 =	sld [smem:$0x3FB1]  }
0x2d: {  	s3 =	simm.s32 $0x108;
	s8 =	sld [smem:$0x3FB2]  }
0x2e: {  	s3 =	simm.s32 @!p0 $0x1082;
	s9 =	sld [smem:$0x3FB3]  }
0x2f: {  	lr =	sadd.s32 s0, s3;
	s0 =	sld [smem:$0x3FAA]  }
0x30: {  	s3 =	sld [smem:$0x3FAD]  }
0x31: {  	[smem:$0x3FB6] =	sst s10  }
0x32: {  	s10 =	sld [smem:$0x3FB4];
	_ =	sdelay $0x3  }
0x33: {  	p0 =	seq.s32 s10, $0x1;
	s10 =	sld [smem:$0x3FB6];
	_ =	sdelay $0x3  }
0x34: {  	[smem:$0x3FB6] =	sst s10  }
0x35: {  	s10 =	sld [smem:$0x3FB5];
	_ =	sdelay $0x3  }
0x36: {  	p1 =	seq.s32 s10, $0x1;
	s10 =	sld [smem:$0x3FB6];
	_ =	sdelay $0x3  }
0x37: {  	[smem:$0x3FB6] =	sst s10  }
0x38: {  	s10 =	sld [smem:$0x3FB7]  }
0x39: {  	_ = 	snop;
	(pc) =	sbr.ind lr, $3  }
0x3a: {  	_ = 	snop  }
0x3b: {  	_ = 	snop  }
0x3c: {  	p2 =	seq.s32 s10, $0x1;
	s10 =	sld [smem:$0x3FB6]  }
0x3d: {  	_ =	shalt  }
0x3e: {  	_ =	shalt  }
0x3f: {  	_ =	shalt  }
0x40: {  	_ =	shalt  }
0x41: {  	_ =	shalt  }
0x42: {  	_ =	shalt  }
0x43: {  	_ =	shalt  }
0x44: {  	_ =	shalt  }
0x45: {  	_ =	shalt  }
0x46: {  	_ =	shalt  }
0x47: {  	_ =	shalt  }
0x48: {  	_ =	shalt  }
0x49: {  	_ =	shalt  }
0x4a: {  	_ =	shalt  }
0x4b: {  	_ =	shalt  }
0x4c: {  	_ =	shalt  }
0x4d: {  	_ =	shalt  }
0x4e: {  	_ =	shalt  }
0x4f: {  	_ =	shalt  }
0x50: {  	_ =	shalt  }
0x51: {  	_ =	shalt  }
0x52: {  	_ =	shalt  }
0x53: {  	_ =	shalt  }
0x54: {  	_ =	shalt  }
0x55: {  	_ =	shalt  }
0x56: {  	_ =	shalt  }
0x57: {  	_ =	shalt  }
0x58: {  	_ =	shalt  }
0x59: {  	_ =	shalt  }
0x5a: {  	_ =	shalt  }
0x5b: {  	_ =	shalt  }
0x5c: {  	_ =	shalt  }
0x5d: {  	_ =	shalt  }
0x5e: {  	_ =	shalt  }
0x5f: {  	_ =	shalt  }
0x60: {  	_ =	shalt  }
0x61: {  	_ =	shalt  }
0x62: {  	_ =	shalt  }
0x63: {  	_ =	shalt  }
0x64: {  	_ =	shalt  }
0x65: {  	_ =	shalt  }
0x66: {  	_ =	shalt  }
0x67: {  	_ =	shalt  }
0x68: {  	_ =	shalt  }
0x69: {  	_ =	shalt  }
0x6a: {  	_ =	shalt  }
0x6b: {  	_ =	shalt  }
0x6c: {  	_ =	shalt  }
0x6d: {  	_ =	shalt  }
0x6e: {  	_ =	shalt  }
0x6f: {  	_ =	shalt  }
0x70: {  	_ =	shalt  }
0x71: {  	_ =	shalt  }
0x72: {  	_ =	shalt  }
0x73: {  	_ =	shalt  }
0x74: {  	_ =	shalt  }
0x75: {  	_ =	shalt  }
0x76: {  	_ =	shalt  }
0x77: {  	_ =	shalt  }
0x78: {  	_ =	shalt  }
0x79: {  	_ =	shalt  }
0x7a: {  	_ =	shalt  }
0x7b: {  	_ =	shalt  }
0x7c: {  	_ =	shalt  }
0x7d: {  	_ =	shalt  }
0x7e: {  	_ =	shalt  }
0x7f: {  	_ =	shalt  }
0x80: {  	_ =	shalt  }
0x81: {  	_ =	shalt  }
0x82: {  	_ =	shalt  }
0x83: {  	_ =	shalt  }
0x84: {  	_ =	shalt  }
0x85: {  	_ =	shalt  }
0x86: {  	_ =	shalt  }
0x87: {  	_ =	shalt  }
.Lfunc_end0:
.L_simem_size_0:
called_computation_lowered:
.L_overlay_start_0:
0x88: {  	s2 =	sld [smem:$0x3FD9]  }
0x89: {  	s3 =	sld [smem:$0x3FFE];
	_ =	sdelay $0x1  }
0x8a: {  	s1 =	srdreg.scid  }
0x8b: {  	s0 =	sand.u32 $0x1, s1  }
0x8c: {  	s14 =	sshll.u32 s0, $0xA;
	s2 =	sadd.s32 s3, s2  }
0x8d: {  	s2 =	sadd.s32 s2, s14  }
0x8e: {  	[smem:$0x3FC2] =	sst s2  }
0x8f: {  	_ = 	snop  }
0x90: {  	s2 =	sld [smem:$0x3FC9]  }
0x91: {  	s15 =	sld [smem:$0x3FD0]  }
0x92: {  	s4 =	sld [smem:$0x3FC8]  }
0x93: {  	s5 =	sld [smem:$0x3FC7]  }
0x94: {  	s7 =	simm.s32 $0xA;
	s8 =	simm.s32 $0x10;
	s6 =	sld [smem:$0x3FC6]  }
0x95: {  	[smem:s8], [sflag:s7] =	dma.local [hbm:s15], $0x1  }
0x96: {  	_ =	swait.eq [sflag:s7], $0x1  }
0x97: {  	[sflag:s7] =	ssyncset.done $0x0  }
0x98: {  	s16 =	sld [smem:$0x10];
	[sflag:s7] =	ssyncadd.s32 $0xFFFFFFFF  }
0x99: {  	s17 =	sld [smem:$0x11];
	(tm) =	ssettm $0x1  }
0x9a: {  	s18 =	sld [smem:$0x3FFB];
	_ =	sdelay $0x3  }
0x9b: {  	_ =	strace s18  }
0x9c: {  	s8 =	sld [smem:$0x3FFC];
	_ =	sdelay $0x3  }
0x9d: {  	_ =	strace s8  }
0x9e: {  	s8 =	sld [smem:$0x3FFD];
	_ =	sdelay $0x3  }
0x9f: {  	_ =	strace s8  }
0xa0: {  	_ =	strace $0x8FFFFFFF  }
0xa1: {  	s19 =	sld [smem:$0x3FDB];
	_ =	sdelay $0x1  }
0xa2: {  	s9 =	simm.s32 $_scs_section_size  }
0xa3: {  	s10 =	simm.s32 $_size__tile_overlayer_lowered;
	s11 =	simm.s32 $_tile_overlayer_lowered  }
0xa4: {  	s22 =	simm.s32 $0x1BFF;
	s21 =	sshll.u32 s11, $0x1;
	s8 =	sadd.s32 s9, s19  }
0xa5: {  	s12 =	simm.s32 $0x0;
	s20 =	sshll.u32 s10, $0x1;
	s10 =	sadd.s32 s21, s8  }
0xa6: {  	[timem:s12], [sflag:s22] =	dma.local [hbm:s10], s20  }
0xa7: {  	_ =	swait.ge [sflag:s22], s20  }
0xa8: {  	s9 =	ssub.s32 $0x0, s20;
	[sflag:s22] =	ssyncset.done $0x0  }
0xa9: {  	[sflag:s22] =	ssyncadd.s32 s9;
	_ =	sdelay $0x1  }
0xaa: {  	s23 =	simm.s32 $0x1B8B  }
0xab: {  	_ =	swait.ge [sflag:s23], $0x1  }
0xac: {  	[sflag:s23] =	ssyncset.done $0x0  }
0xad: {  	s25 =	simm.s32 $0x1B8E;
	s24 =	sld [smem:$0x3FFE];
	[sflag:s23] =	ssyncadd.s32 $0xFFFFFFFF  }
0xae: {  	s26 =	simm.s32 $execute0_lowered;
	[smem:$0x3FD2] =	sst s25  }
0xaf: {  	s10 =	sshll.u32 s26, $0x1;
	_ =	strace $0x80000046;
	[dreg:$0x1] =	wrdreg $0xFFFFFFFF  }
0xb0: {  	s28 =	simm.s32 $_size_execute0_lowered;
	s8 =	sadd.s32 s8, s10;
	[dreg:$0x0] =	wrdreg $0x0  }
0xb1: {  	s10 =	sshll.u32 s28, $0x1;
	[dreg:$0x2] =	wrdreg s8  }
0xb2: {  	[dreg:$0x3] =	wrdreg s10  }
0xb3: {  	[dreg:$0x4] =	wrdreg $0xC0  }
0xb4: {  	_ =	task [dreg:s12], $0x5FFFF  }
0xb5: {  	[dreg:$0x1] =	wrdreg $0xFFFFFFFF  }
0xb6: {  	[dreg:$0x0] =	wrdreg $0x60  }
0xb7: {  	[dreg:$0x2] =	wrdreg s2  }
0xb8: {  	[dreg:$0x3] =	wrdreg s4  }
0xb9: {  	[dreg:$0x4] =	wrdreg s5  }
0xba: {  	[dreg:$0x5] =	wrdreg s6  }
0xbb: {  	[dreg:$0x6] =	wrdreg s24  }
0xbc: {  	[dreg:$0x7] =	wrdreg s16  }
0xbd: {  	[dreg:$0x8] =	wrdreg s17  }
0xbe: {  	[dreg:$0x9] =	wrdreg $0x9  }
0xbf: {  	_ =	task.clear_ibuf [dreg:s12], $0xAFFFF;
	_ =	strace $0x90000046  }
0xc0: {  	s29 =	simm.s32 $0x9;
	_ =	strace $0x80000048  }
0xc1: {  	_ =	swait.ge [sflag:s29], $0x1  }
0xc2: {  	[sflag:s29] =	ssyncadd.s32 $0xFFFFFFFF  }
0xc3: {  	_ =	strace $0x90000048  }
0xc4: {  	_ =	sfence  }
0xc5: {  	s30 =	sld [smem:$0x0];
	_ =	sdelay $0x2  }
0xc6: {  	s31 =	sshll.u32 s1, $0xD;
	s1 =	sshrl.u32 s1, $0x2  }
0xc7: {  	s3 =	sand.u32 $0x4000, s31;
	s1 =	sadd.s32 s1, s30  }
0xc8: {  	s0 =	sor.u32 s3, s0;
	s1 =	sshll.u32 s1, $0x11  }
0xc9: {  	s0 =	sor.u32 s1, s0  }
0xca: {  	s0 =	sadd.s32 $0x8F2B, s0  }
0xcb: {  	[sflag:s0] =	ssyncadd.remote.s32 $0x1  }
0xcc: {  	_ =	sfence.sel $0xFFFF  }
0xcd: {  	[dreg:$0x0] =	wrdreg $0xFFFFFFFF;
	(pc) =	sbr.abs _section_cstart, $3  }
0xce: {  	[dreg:$0x1] =	wrdreg $0xFFFFFFFF  }
0xcf: {  	_ =	task.clear_ibuf [dreg:s12], $0x2FFFF;
	_ =	strace $0x9FFFFFFF  }
0xd0: {  	(tm) =	ssettm $0x7FFFFFFF  }
0xd1: {  	_ =	shalt  }
tec
execute0_lowered:
.L_overlay_start_1:
0x0: {  	(tag) =	ssettag $0x1  }
0x1: {  	s0 =	rddreg [dreg:$0x0]  }
0x2: {  	s2 =	rddreg [dreg:$0x1]  }
0x3: {  	s3 =	rddreg [dreg:$0x2]  }
0x4: {  	s4 =	rddreg [dreg:$0x3]  }
0x5: {  	s1 =	srdreg.scid;
	s5 =	rddreg [dreg:$0x4]  }
0x6: {  	s8 =	stileid.u32;
	s7 =	rddreg [dreg:$0x6]  }
0x7: {  	s31 =	simm.s32 $0x2;
	s6 =	sand.u32 $0x1, s1;
	s8 =	sshll.u32 s8, $0xA  }
0x8: {  	s1 =	simm.s32 $0x0;
	s9 =	sshll.u32 s6, $0x9;
	s6 =	ssub.s32 $0x2, s6  }
0x9: {  	s29 =	sadd.s32 $0xF43000, s5;
	s8 =	sor.u32 s9, s8;
	s17 =	sshrl.u32 s6, $0x1  }
0xa: {  	[smem:$0x7FF] =	sst s1;
	s10 =	sshrl.u32 s8, $0x3;
	s6 =	ssub.s32 s6, s17  }
0xb: {  	s19 =	sor.u32 $0x80, s8;
	s22 =	sshll.u32 s8, $0x3;
	s18 =	sadd.s32 s0, s10  }
0xc: {  	s11 =	sadd.s32 s2, s10;
	s20 =	sadd.s32 s3, s10;
	[dreg:$0x8] =	wrdreg s18  }
0xd: {  	s21 =	sshrl.u32 s19, $0x3;
	s10 =	sadd.s32 s4, s10;
	[dreg:$0x9] =	wrdreg s11  }
0xe: {  	s9 =	sshll.u32 s19, $0x3;
	s30 =	smax.u32 s6, $0x1;
	[dreg:$0xa] =	wrdreg s20  }
0xf: {  	s6 =	simm.s32 $0x6200;
	[dreg:$0xb] =	wrdreg s10;
	s12 =	sadd.s32 s0, s21  }
0x10: {  	s23 =	sadd.s32 s2, s21;
	s24 =	sadd.s32 s3, s21;
	[dreg:$0xc] =	wrdreg s12  }
0x11: {  	s20 =	sor.u32 $0x100, s8;
	s11 =	sadd.s32 s4, s21;
	[dreg:$0xd] =	wrdreg s23  }
0x12: {  	s8 =	sor.u32 $0x180, s8;
	s18 =	sadd.s32 s7, s22;
	[dreg:$0xe] =	wrdreg s24  }
0x13: {  	s21 =	sadd.s32 s7, s9;
	[dreg:$0xf] =	wrdreg s11;
	s13 =	sshrl.u32 s20, $0x3  }
0x14: {  	s17 =	sshrl.u32 s8, $0x3;
	s11 =	sshll.u32 s20, $0x3;
	s23 =	rddreg [dreg:$0x5]  }
0x15: {  	s20 =	sshll.u32 s8, $0x3;
	s8 =	simm.s32 $0x0;
	s25 =	sadd.s32 s0, s13  }
0x16: {  	s26 =	sadd.s32 s2, s13;
	s12 =	sadd.s32 s3, s13;
	s13 =	sadd.s32 s4, s13  }
0x17: {  	s14 =	sadd.s32 s0, s17;
	s15 =	sadd.s32 s2, s17;
	s16 =	sadd.s32 s3, s17  }
0x18: {  	s17 =	sadd.s32 s4, s17;
	s4 =	sadd.s32 $0xC00, s5;
	s24 =	sadd.s32 s7, s11  }
0x19: {  	s0 =	simm.s32 $0x100;
	s2 =	simm.s32 $0x180;
	[dreg:$0x10] =	wrdreg s25  }
0x1a: {  	s3 =	simm.s32 $0x200;
	s5 =	simm.s32 $0x4200;
	[dreg:$0x11] =	wrdreg s26  }
0x1b: {  	s19 =	sadd.s32 s4, s22;
	s22 =	sadd.s32 s4, s9;
	s25 =	sadd.s32 s4, s11  }
0x1c: {  	s26 =	sadd.s32 s7, s20;
	s28 =	sadd.s32 s4, s20;
	s20 =	simm.s32 $0x80  }
0x1d: {  	s4 =	simm.s32 $0x2200;
	s7 =	simm.s32 $0x1;
	_ =	strace $0x80000047  }
.LBB2_1:
0x1e: {  	s9 =	rddreg [dreg:$0x8]  }
0x1f: {  	[tilespmem:s1], [sflag:$0x2] =	stream.linear.gather [hbm4b:s9+s1], $0x80, $0x38;
	[tilespmem:$0x8200] =	vst v63  }
0x20: {  	_ =	swait.ge [sflag:s31], $0x80  }
0x21: {  	[sflag:s31] =	ssyncset.done $0x0  }
0x22: {  	s11 =	rddreg [dreg:$0x9];
	[sflag:s31] =	ssyncadd.s32 $0xFFFFFF80  }
0x23: {  	[tilespmem:s20], [sflag:$0x2] =	stream.linear.gather [hbm4b:s11+s1], $0x80, $0x38;
	[tilespmem:$0x8200] =	vst v63  }
0x24: {  	_ =	swait.ge [sflag:s31], $0x80  }
0x25: {  	[sflag:s31] =	ssyncset.done $0x0  }
0x26: {  	s10 =	rddreg [dreg:$0xa];
	[sflag:s31] =	ssyncadd.s32 $0xFFFFFF80  }
0x27: {  	[tilespmem:s0], [sflag:$0x2] =	stream.linear.gather [hbm4b:s10+s1], $0x80, $0x38;
	[tilespmem:$0x8200] =	vst v63  }
0x28: {  	_ =	swait.ge [sflag:s31], $0x80  }
0x29: {  	[sflag:s31] =	ssyncset.done $0x0  }
0x2a: {  	s11 =	rddreg [dreg:$0xb];
	[sflag:s31] =	ssyncadd.s32 $0xFFFFFF80  }
0x2b: {  	[tilespmem:s2], [sflag:$0x2] =	stream.linear.gather [hbm4b:s11+s1], $0x80, $0x38;
	[tilespmem:$0x8200] =	vst v63  }
0x2c: {  	_ =	swait.ge [sflag:s31], $0x80  }
0x2d: {  	[sflag:s31] =	ssyncset.done $0x0  }
0x2e: {  	[sflag:s31] =	ssyncadd.s32 $0xFFFFFF80  }
0x2f: {  	[tilespmem:s3], [sflag:$0x1] =	stream.indirect.gather [hbm4b:s29+s20], $0x40, s1, s20, $0xb8;
	[tilespmem:$0x8200] =	vst v63  }
0x30: {  	_ = 	snop  }
0x31: {  	[tilespmem:s4], [sflag:$0x1] =	stream.indirect.gather [hbm4b:s23+s20], $0x40, s20, s20, $0xb8;
	[tilespmem:$0x8200] =	vst v63  }
0x32: {  	_ = 	snop  }
0x33: {  	[tilespmem:s5], [sflag:$0x1] =	stream.indirect.gather [hbm4b:s29+s20], $0x40, s0, s20, $0xb8;
	[tilespmem:$0x8200] =	vst v63  }
0x34: {  	_ = 	snop  }
0x35: {  	[tilespmem:s6], [sflag:$0x1] =	stream.indirect.gather [hbm4b:s29+s20], $0x40, s2, s20, $0xb8;
	[tilespmem:$0x8200] =	vst v63  }
0x36: {  	_ =	swait.ge [sflag:s7], $0x2000  }
0x37: {  	[sflag:s7] =	ssyncset.done $0x0  }
0x38: {  	[sflag:s7] =	ssyncadd.s32 $0xFFFFE000  }
0x39: {  	_ =	swait.ge [sflag:s7], $0x2000  }
0x3a: {  	[sflag:s7] =	ssyncset.done $0x0  }
0x3b: {  	[sflag:s7] =	ssyncadd.s32 $0xFFFFE000  }
0x3c: {  	_ =	swait.ge [sflag:s7], $0x2000  }
0x3d: {  	[sflag:s7] =	ssyncset.done $0x0  }
0x3e: {  	[sflag:s7] =	ssyncadd.s32 $0xFFFFE000  }
0x3f: {  	_ =	swait.ge [sflag:s7], $0x2000  }
0x40: {  	[sflag:s7] =	ssyncset.done $0x0  }
0x41: {  	s9 =	simm.s32 $0x0;
	[sflag:s7] =	ssyncadd.s32 $0xFFFFE000  }
0x42: {  	v6 =	vld [tilespmem:s9+$0x200]  }
0x43: {  	v11 =	vld [tilespmem:s9+$0x2200]  }
0x44: {  	v3 =	vld [tilespmem:s9+$0x210]  }
0x45: {  	v5 =	vld [tilespmem:s9+$0x2210]  }
0x46: {  	v2 =	vld [tilespmem:s9+$0x220]  }
0x47: {  	v4 =	vld [tilespmem:s9+$0x2220]  }
0x48: {  	v0 =	vld [tilespmem:s9+$0x230]  }
0x49: {  	v1 =	vld [tilespmem:s9+$0x2230]  }
0x4a: {  	v10 =	vld [tilespmem:s9+$0x4200]  }
0x4b: {  	v9 =	vld [tilespmem:s9+$0x6200]  }
0x4c: {  	v8 =	vld [tilespmem:s9+$0x4210]  }
0x4d: {  	v7 =	vld [tilespmem:s9+$0x6210];
	v11 =	vadd.f32 v11, v6  }
0x4e: {  	s10 =	simm.s32 $0x100;
	v6 =	vld [tilespmem:s9+$0x4220]  }
.LBB2_2:
0x4f: {  	p0 =	sne.s32 s10, $0x7F00;
	v10 =	vsub.f32 v11, v10;
	v3 =	vadd.f32 v5, v3;
	v5 =	vld [tilespmem:s9+$0x6220]  }
0x50: {  	v9 =	vsub.f32 v11, v9;
	v11 =	vld [tilespmem:s9+$0x4230]  }
0x51: {  	s11 =	sshra.s32 s10, $0x2;
	v2 =	vadd.f32 v4, v2;
	[tilespmem:s9+$0x4200] =	vst v10;
	v8 =	vsub.f32 v3, v8;
	v4 =	vld [tilespmem:s9+$0x6230]  }
0x52: {  	v12 =	vld [tilespmem:s11+$0x200];
	[tilespmem:s9+$0x6200] =	vst v9;
	v7 =	vsub.f32 v3, v7  }
0x53: {  	v0 =	vadd.f32 v1, v0;
	v13 =	vld [tilespmem:s11+$0x2200];
	[tilespmem:s9+$0x4210] =	vst v8;
	v6 =	vsub.f32 v2, v6  }
0x54: {  	v3 =	vld [tilespmem:s11+$0x210];
	[tilespmem:s9+$0x6210] =	vst v7;
	v1 =	vsub.f32 v2, v5  }
0x55: {  	v5 =	vld [tilespmem:s11+$0x2210];
	[tilespmem:s9+$0x4220] =	vst v6;
	v6 =	vsub.f32 v0, v11  }
0x56: {  	v2 =	vld [tilespmem:s11+$0x220];
	[tilespmem:s9+$0x6220] =	vst v1;
	v1 =	vsub.f32 v0, v4  }
0x57: {  	v4 =	vld [tilespmem:s11+$0x2220];
	[tilespmem:s9+$0x4230] =	vst v6  }
0x58: {  	v0 =	vld [tilespmem:s11+$0x230];
	[tilespmem:s9+$0x6230] =	vst v1;
	s9 =	smov.u32 s11  }
0x59: {  	v1 =	vld [tilespmem:s9+$0x2230]  }
.Ltmp0:
0x5a: {  	v10 =	vld [tilespmem:s9+$0x4200];
	(pc) =	sbr.rel @p0 .LBB2_2-.Ltmp0, $4  }
0x5b: {  	v9 =	vld [tilespmem:s9+$0x6200]  }
0x5c: {  	v8 =	vld [tilespmem:s9+$0x4210]  }
0x5d: {  	v11 =	vadd.f32 v13, v12;
	v7 =	vld [tilespmem:s9+$0x6210]  }
0x5e: {  	s10 =	sadd.s32 $0x100, s10;
	v6 =	vld [tilespmem:s9+$0x4220]  }
0x5f: {  	v10 =	vsub.f32 v11, v10;
	v12 =	vld [tilespmem:s9+$0x6220];
	v3 =	vadd.f32 v5, v3  }
0x60: {  	v5 =	vld [tilespmem:s9+$0x4230];
	v9 =	vsub.f32 v11, v9  }
0x61: {  	v2 =	vadd.f32 v4, v2;
	v4 =	vld [tilespmem:s9+$0x6230];
	[tilespmem:s9+$0x4200] =	vst v10;
	v8 =	vsub.f32 v3, v8  }
0x62: {  	[tilespmem:s9+$0x6200] =	vst v9;
	v3 =	vsub.f32 v3, v7  }
0x63: {  	v0 =	vadd.f32 v1, v0;
	[tilespmem:s9+$0x4210] =	vst v8;
	v6 =	vsub.f32 v2, v6  }
0x64: {  	[tilespmem:s9+$0x6210] =	vst v3;
	v1 =	vsub.f32 v2, v12  }
0x65: {  	v2 =	vsub.f32 v0, v5;
	[tilespmem:s9+$0x4220] =	vst v6  }
0x66: {  	v0 =	vsub.f32 v0, v4;
	[tilespmem:s9+$0x6220] =	vst v1  }
0x67: {  	[tilespmem:s9+$0x4230] =	vst v2  }
0x68: {  	[tilespmem:s9+$0x6230] =	vst v0;
	s9 =	simm.s32 $0x0  }
0x69: {  	[hbm4b:s18+s9] =	stream.linear.scatter [tilespmem:s5], [sflag:$0x2], $0x2000, $0x38;
	[tilespmem:$0x8200] =	vst v63  }
0x6a: {  	_ =	swait.ge [sflag:s31], $0x2000  }
0x6b: {  	[sflag:s31] =	ssyncset.done $0x0  }
0x6c: {  	[sflag:s31] =	ssyncadd.s32 $0xFFFFE000  }
0x6d: {  	[hbm4b:s19+s9] =	stream.linear.scatter [tilespmem:s6], [sflag:$0x2], $0x2000, $0x38;
	[tilespmem:$0x8200] =	vst v63  }
0x6e: {  	_ =	swait.ge [sflag:s31], $0x2000  }
0x6f: {  	[sflag:s31] =	ssyncset.done $0x0  }
0x70: {  	s10 =	rddreg [dreg:$0xc];
	[sflag:s31] =	ssyncadd.s32 $0xFFFFE000  }
0x71: {  	[tilespmem:s9], [sflag:$0x2] =	stream.linear.gather [hbm4b:s10+s9], $0x80, $0x38;
	[tilespmem:$0x8200] =	vst v63  }
0x72: {  	_ =	swait.ge [sflag:s31], $0x80  }
0x73: {  	[sflag:s31] =	ssyncset.done $0x0  }
0x74: {  	s11 =	rddreg [dreg:$0xd];
	[sflag:s31] =	ssyncadd.s32 $0xFFFFFF80  }
0x75: {  	[tilespmem:s20], [sflag:$0x2] =	stream.linear.gather [hbm4b:s11+s9], $0x80, $0x38;
	[tilespmem:$0x8200] =	vst v63  }
0x76: {  	_ =	swait.ge [sflag:s31], $0x80  }
0x77: {  	[sflag:s31] =	ssyncset.done $0x0  }
0x78: {  	s11 =	rddreg [dreg:$0xe];
	[sflag:s31] =	ssyncadd.s32 $0xFFFFFF80  }
0x79: {  	[tilespmem:s0], [sflag:$0x2] =	stream.linear.gather [hbm4b:s11+s9], $0x80, $0x38;
	[tilespmem:$0x8200] =	vst v63  }
0x7a: {  	_ =	swait.ge [sflag:s31], $0x80  }
0x7b: {  	[sflag:s31] =	ssyncset.done $0x0  }
0x7c: {  	s11 =	rddreg [dreg:$0xf];
	[sflag:s31] =	ssyncadd.s32 $0xFFFFFF80  }
0x7d: {  	[tilespmem:s2], [sflag:$0x2] =	stream.linear.gather [hbm4b:s11+s9], $0x80, $0x38;
	[tilespmem:$0x8200] =	vst v63  }
0x7e: {  	_ =	swait.ge [sflag:s31], $0x80  }
0x7f: {  	[sflag:s31] =	ssyncset.done $0x0  }
0x80: {  	[sflag:s31] =	ssyncadd.s32 $0xFFFFFF80  }
0x81: {  	[tilespmem:s3], [sflag:$0x1] =	stream.indirect.gather [hbm4b:s29+s20], $0x40, s9, s20, $0xb8;
	[tilespmem:$0x8200] =	vst v63  }
0x82: {  	_ = 	snop  }
0x83: {  	[tilespmem:s4], [sflag:$0x1] =	stream.indirect.gather [hbm4b:s23+s20], $0x40, s20, s20, $0xb8;
	[tilespmem:$0x8200] =	vst v63  }
0x84: {  	_ = 	snop  }
0x85: {  	[tilespmem:s5], [sflag:$0x1] =	stream.indirect.gather [hbm4b:s29+s20], $0x40, s0, s20, $0xb8;
	[tilespmem:$0x8200] =	vst v63  }
0x86: {  	_ = 	snop  }
0x87: {  	[tilespmem:s6], [sflag:$0x1] =	stream.indirect.gather [hbm4b:s29+s20], $0x40, s2, s20, $0xb8;
	[tilespmem:$0x8200] =	vst v63  }
0x88: {  	_ =	swait.ge [sflag:s7], $0x2000  }
0x89: {  	[sflag:s7] =	ssyncset.done $0x0  }
0x8a: {  	[sflag:s7] =	ssyncadd.s32 $0xFFFFE000  }
0x8b: {  	_ =	swait.ge [sflag:s7], $0x2000  }
0x8c: {  	[sflag:s7] =	ssyncset.done $0x0  }
0x8d: {  	[sflag:s7] =	ssyncadd.s32 $0xFFFFE000  }
0x8e: {  	_ =	swait.ge [sflag:s7], $0x2000  }
0x8f: {  	[sflag:s7] =	ssyncset.done $0x0  }
0x90: {  	[sflag:s7] =	ssyncadd.s32 $0xFFFFE000  }
0x91: {  	_ =	swait.ge [sflag:s7], $0x2000  }
0x92: {  	[sflag:s7] =	ssyncset.done $0x0  }
0x93: {  	s9 =	simm.s32 $0x0;
	[sflag:s7] =	ssyncadd.s32 $0xFFFFE000  }
0x94: {  	v6 =	vld [tilespmem:s9+$0x200]  }
0x95: {  	v11 =	vld [tilespmem:s9+$0x2200]  }
0x96: {  	v3 =	vld [tilespmem:s9+$0x210]  }
0x97: {  	v5 =	vld [tilespmem:s9+$0x2210]  }
0x98: {  	v2 =	vld [tilespmem:s9+$0x220]  }
0x99: {  	v4 =	vld [tilespmem:s9+$0x2220]  }
0x9a: {  	v0 =	vld [tilespmem:s9+$0x230]  }
0x9b: {  	v1 =	vld [tilespmem:s9+$0x2230]  }
0x9c: {  	v10 =	vld [tilespmem:s9+$0x4200]  }
0x9d: {  	v9 =	vld [tilespmem:s9+$0x6200]  }
0x9e: {  	v8 =	vld [tilespmem:s9+$0x4210]  }
0x9f: {  	v7 =	vld [tilespmem:s9+$0x6210];
	v11 =	vadd.f32 v11, v6  }
0xa0: {  	s10 =	simm.s32 $0x100;
	v6 =	vld [tilespmem:s9+$0x4220]  }
.LBB2_4:
0xa1: {  	p0 =	sne.s32 s10, $0x7F00;
	v10 =	vsub.f32 v11, v10;
	v3 =	vadd.f32 v5, v3;
	v5 =	vld [tilespmem:s9+$0x6220]  }
0xa2: {  	v9 =	vsub.f32 v11, v9;
	v11 =	vld [tilespmem:s9+$0x4230]  }
0xa3: {  	s11 =	sshra.s32 s10, $0x2;
	v2 =	vadd.f32 v4, v2;
	[tilespmem:s9+$0x4200] =	vst v10;
	v8 =	vsub.f32 v3, v8;
	v4 =	vld [tilespmem:s9+$0x6230]  }
0xa4: {  	v12 =	vld [tilespmem:s11+$0x200];
	[tilespmem:s9+$0x6200] =	vst v9;
	v7 =	vsub.f32 v3, v7  }
0xa5: {  	v0 =	vadd.f32 v1, v0;
	v13 =	vld [tilespmem:s11+$0x2200];
	[tilespmem:s9+$0x4210] =	vst v8;
	v6 =	vsub.f32 v2, v6  }
0xa6: {  	v3 =	vld [tilespmem:s11+$0x210];
	[tilespmem:s9+$0x6210] =	vst v7;
	v1 =	vsub.f32 v2, v5  }
0xa7: {  	v5 =	vld [tilespmem:s11+$0x2210];
	[tilespmem:s9+$0x4220] =	vst v6;
	v6 =	vsub.f32 v0, v11  }
0xa8: {  	v2 =	vld [tilespmem:s11+$0x220];
	[tilespmem:s9+$0x6220] =	vst v1;
	v1 =	vsub.f32 v0, v4  }
0xa9: {  	v4 =	vld [tilespmem:s11+$0x2220];
	[tilespmem:s9+$0x4230] =	vst v6  }
0xaa: {  	v0 =	vld [tilespmem:s11+$0x230];
	[tilespmem:s9+$0x6230] =	vst v1;
	s9 =	smov.u32 s11  }
0xab: {  	v1 =	vld [tilespmem:s9+$0x2230]  }
.Ltmp1:
0xac: {  	v10 =	vld [tilespmem:s9+$0x4200];
	(pc) =	sbr.rel @p0 .LBB2_4-.Ltmp1, $4  }
0xad: {  	v9 =	vld [tilespmem:s9+$0x6200]  }
0xae: {  	v8 =	vld [tilespmem:s9+$0x4210]  }
0xaf: {  	v11 =	vadd.f32 v13, v12;
	v7 =	vld [tilespmem:s9+$0x6210]  }
0xb0: {  	s10 =	sadd.s32 $0x100, s10;
	v6 =	vld [tilespmem:s9+$0x4220]  }
0xb1: {  	v10 =	vsub.f32 v11, v10;
	v12 =	vld [tilespmem:s9+$0x6220];
	v3 =	vadd.f32 v5, v3  }
0xb2: {  	v5 =	vld [tilespmem:s9+$0x4230];
	v9 =	vsub.f32 v11, v9  }
0xb3: {  	v2 =	vadd.f32 v4, v2;
	v4 =	vld [tilespmem:s9+$0x6230];
	[tilespmem:s9+$0x4200] =	vst v10;
	v8 =	vsub.f32 v3, v8  }
0xb4: {  	[tilespmem:s9+$0x6200] =	vst v9;
	v3 =	vsub.f32 v3, v7  }
0xb5: {  	v0 =	vadd.f32 v1, v0;
	[tilespmem:s9+$0x4210] =	vst v8;
	v6 =	vsub.f32 v2, v6  }
0xb6: {  	[tilespmem:s9+$0x6210] =	vst v3;
	v1 =	vsub.f32 v2, v12  }
0xb7: {  	v2 =	vsub.f32 v0, v5;
	[tilespmem:s9+$0x4220] =	vst v6  }
0xb8: {  	v0 =	vsub.f32 v0, v4;
	[tilespmem:s9+$0x6220] =	vst v1  }
0xb9: {  	[tilespmem:s9+$0x4230] =	vst v2  }
0xba: {  	[tilespmem:s9+$0x6230] =	vst v0;
	s9 =	simm.s32 $0x0  }
0xbb: {  	[hbm4b:s21+s9] =	stream.linear.scatter [tilespmem:s5], [sflag:$0x2], $0x2000, $0x38;
	[tilespmem:$0x8200] =	vst v63  }
0xbc: {  	_ =	swait.ge [sflag:s31], $0x2000  }
0xbd: {  	[sflag:s31] =	ssyncset.done $0x0  }
0xbe: {  	[sflag:s31] =	ssyncadd.s32 $0xFFFFE000  }
0xbf: {  	[hbm4b:s22+s9] =	stream.linear.scatter [tilespmem:s6], [sflag:$0x2], $0x2000, $0x38;
	[tilespmem:$0x8200] =	vst v63  }
0xc0: {  	_ =	swait.ge [sflag:s31], $0x2000  }
0xc1: {  	[sflag:s31] =	ssyncset.done $0x0  }
0xc2: {  	s10 =	rddreg [dreg:$0x10];
	[sflag:s31] =	ssyncadd.s32 $0xFFFFE000  }
0xc3: {  	[tilespmem:s9], [sflag:$0x2] =	stream.linear.gather [hbm4b:s10+s9], $0x80, $0x38;
	[tilespmem:$0x8200] =	vst v63  }
0xc4: {  	_ =	swait.ge [sflag:s31], $0x80  }
0xc5: {  	[sflag:s31] =	ssyncset.done $0x0  }
0xc6: {  	s11 =	rddreg [dreg:$0x11];
	[sflag:s31] =	ssyncadd.s32 $0xFFFFFF80  }
0xc7: {  	[tilespmem:s20], [sflag:$0x2] =	stream.linear.gather [hbm4b:s11+s9], $0x80, $0x38;
	[tilespmem:$0x8200] =	vst v63  }
0xc8: {  	_ =	swait.ge [sflag:s31], $0x80  }
0xc9: {  	[sflag:s31] =	ssyncset.done $0x0  }
0xca: {  	[sflag:s31] =	ssyncadd.s32 $0xFFFFFF80  }
0xcb: {  	[tilespmem:s0], [sflag:$0x2] =	stream.linear.gather [hbm4b:s12+s9], $0x80, $0x38;
	[tilespmem:$0x8200] =	vst v63  }
0xcc: {  	_ =	swait.ge [sflag:s31], $0x80  }
0xcd: {  	[sflag:s31] =	ssyncset.done $0x0  }
0xce: {  	[sflag:s31] =	ssyncadd.s32 $0xFFFFFF80  }
0xcf: {  	[tilespmem:s2], [sflag:$0x2] =	stream.linear.gather [hbm4b:s13+s9], $0x80, $0x38;
	[tilespmem:$0x8200] =	vst v63  }
0xd0: {  	_ =	swait.ge [sflag:s31], $0x80  }
0xd1: {  	[sflag:s31] =	ssyncset.done $0x0  }
0xd2: {  	[sflag:s31] =	ssyncadd.s32 $0xFFFFFF80  }
0xd3: {  	[tilespmem:s3], [sflag:$0x1] =	stream.indirect.gather [hbm4b:s29+s20], $0x40, s9, s20, $0xb8;
	[tilespmem:$0x8200] =	vst v63  }
0xd4: {  	_ = 	snop  }
0xd5: {  	[tilespmem:s4], [sflag:$0x1] =	stream.indirect.gather [hbm4b:s23+s20], $0x40, s20, s20, $0xb8;
	[tilespmem:$0x8200] =	vst v63  }
0xd6: {  	_ = 	snop  }
0xd7: {  	[tilespmem:s5], [sflag:$0x1] =	stream.indirect.gather [hbm4b:s29+s20], $0x40, s0, s20, $0xb8;
	[tilespmem:$0x8200] =	vst v63  }
0xd8: {  	_ = 	snop  }
0xd9: {  	[tilespmem:s6], [sflag:$0x1] =	stream.indirect.gather [hbm4b:s29+s20], $0x40, s2, s20, $0xb8;
	[tilespmem:$0x8200] =	vst v63  }
0xda: {  	_ =	swait.ge [sflag:s7], $0x2000  }
0xdb: {  	[sflag:s7] =	ssyncset.done $0x0  }
0xdc: {  	[sflag:s7] =	ssyncadd.s32 $0xFFFFE000  }
0xdd: {  	_ =	swait.ge [sflag:s7], $0x2000  }
0xde: {  	[sflag:s7] =	ssyncset.done $0x0  }
0xdf: {  	[sflag:s7] =	ssyncadd.s32 $0xFFFFE000  }
0xe0: {  	_ =	swait.ge [sflag:s7], $0x2000  }
0xe1: {  	[sflag:s7] =	ssyncset.done $0x0  }
0xe2: {  	[sflag:s7] =	ssyncadd.s32 $0xFFFFE000  }
0xe3: {  	_ =	swait.ge [sflag:s7], $0x2000  }
0xe4: {  	[sflag:s7] =	ssyncset.done $0x0  }
0xe5: {  	s9 =	simm.s32 $0x0;
	[sflag:s7] =	ssyncadd.s32 $0xFFFFE000  }
0xe6: {  	v6 =	vld [tilespmem:s9+$0x200]  }
0xe7: {  	v11 =	vld [tilespmem:s9+$0x2200]  }
0xe8: {  	v3 =	vld [tilespmem:s9+$0x210]  }
0xe9: {  	v5 =	vld [tilespmem:s9+$0x2210]  }
0xea: {  	v2 =	vld [tilespmem:s9+$0x220]  }
0xeb: {  	v4 =	vld [tilespmem:s9+$0x2220]  }
0xec: {  	v0 =	vld [tilespmem:s9+$0x230]  }
0xed: {  	v1 =	vld [tilespmem:s9+$0x2230]  }
0xee: {  	v10 =	vld [tilespmem:s9+$0x4200]  }
0xef: {  	v9 =	vld [tilespmem:s9+$0x6200]  }
0xf0: {  	v8 =	vld [tilespmem:s9+$0x4210]  }
0xf1: {  	v7 =	vld [tilespmem:s9+$0x6210];
	v11 =	vadd.f32 v11, v6  }
0xf2: {  	s10 =	simm.s32 $0x100;
	v6 =	vld [tilespmem:s9+$0x4220]  }
.LBB2_6:
0xf3: {  	p0 =	sne.s32 s10, $0x7F00;
	v10 =	vsub.f32 v11, v10;
	v3 =	vadd.f32 v5, v3;
	v5 =	vld [tilespmem:s9+$0x6220]  }
0xf4: {  	v9 =	vsub.f32 v11, v9;
	v11 =	vld [tilespmem:s9+$0x4230]  }
0xf5: {  	s11 =	sshra.s32 s10, $0x2;
	v2 =	vadd.f32 v4, v2;
	[tilespmem:s9+$0x4200] =	vst v10;
	v8 =	vsub.f32 v3, v8;
	v4 =	vld [tilespmem:s9+$0x6230]  }
0xf6: {  	v12 =	vld [tilespmem:s11+$0x200];
	[tilespmem:s9+$0x6200] =	vst v9;
	v7 =	vsub.f32 v3, v7  }
0xf7: {  	v0 =	vadd.f32 v1, v0;
	v13 =	vld [tilespmem:s11+$0x2200];
	[tilespmem:s9+$0x4210] =	vst v8;
	v6 =	vsub.f32 v2, v6  }
0xf8: {  	v3 =	vld [tilespmem:s11+$0x210];
	[tilespmem:s9+$0x6210] =	vst v7;
	v1 =	vsub.f32 v2, v5  }
0xf9: {  	v5 =	vld [tilespmem:s11+$0x2210];
	[tilespmem:s9+$0x4220] =	vst v6;
	v6 =	vsub.f32 v0, v11  }
0xfa: {  	v2 =	vld [tilespmem:s11+$0x220];
	[tilespmem:s9+$0x6220] =	vst v1;
	v1 =	vsub.f32 v0, v4  }
0xfb: {  	v4 =	vld [tilespmem:s11+$0x2220];
	[tilespmem:s9+$0x4230] =	vst v6  }
0xfc: {  	v0 =	vld [tilespmem:s11+$0x230];
	[tilespmem:s9+$0x6230] =	vst v1;
	s9 =	smov.u32 s11  }
0xfd: {  	v1 =	vld [tilespmem:s9+$0x2230]  }
.Ltmp2:
0xfe: {  	v10 =	vld [tilespmem:s9+$0x4200];
	(pc) =	sbr.rel @p0 .LBB2_6-.Ltmp2, $4  }
0xff: {  	v9 =	vld [tilespmem:s9+$0x6200]  }
0x100: {  	v8 =	vld [tilespmem:s9+$0x4210]  }
0x101: {  	v11 =	vadd.f32 v13, v12;
	v7 =	vld [tilespmem:s9+$0x6210]  }
0x102: {  	s10 =	sadd.s32 $0x100, s10;
	v6 =	vld [tilespmem:s9+$0x4220]  }
0x103: {  	v10 =	vsub.f32 v11, v10;
	v12 =	vld [tilespmem:s9+$0x6220];
	v3 =	vadd.f32 v5, v3  }
0x104: {  	v5 =	vld [tilespmem:s9+$0x4230];
	v9 =	vsub.f32 v11, v9  }
0x105: {  	v2 =	vadd.f32 v4, v2;
	v4 =	vld [tilespmem:s9+$0x6230];
	[tilespmem:s9+$0x4200] =	vst v10;
	v8 =	vsub.f32 v3, v8  }
0x106: {  	[tilespmem:s9+$0x6200] =	vst v9;
	v3 =	vsub.f32 v3, v7  }
0x107: {  	v0 =	vadd.f32 v1, v0;
	[tilespmem:s9+$0x4210] =	vst v8;
	v6 =	vsub.f32 v2, v6  }
0x108: {  	[tilespmem:s9+$0x6210] =	vst v3;
	v1 =	vsub.f32 v2, v12  }
0x109: {  	v2 =	vsub.f32 v0, v5;
	[tilespmem:s9+$0x4220] =	vst v6  }
0x10a: {  	v0 =	vsub.f32 v0, v4;
	[tilespmem:s9+$0x6220] =	vst v1  }
0x10b: {  	[tilespmem:s9+$0x4230] =	vst v2  }
0x10c: {  	s11 =	simm.s32 $0x0;
	[tilespmem:s9+$0x6230] =	vst v0  }
0x10d: {  	[hbm4b:s24+s11] =	stream.linear.scatter [tilespmem:s5], [sflag:$0x2], $0x2000, $0x38;
	[tilespmem:$0x8200] =	vst v63  }
0x10e: {  	_ =	swait.ge [sflag:s31], $0x2000  }
0x10f: {  	[sflag:s31] =	ssyncset.done $0x0  }
0x110: {  	[sflag:s31] =	ssyncadd.s32 $0xFFFFE000  }
0x111: {  	[hbm4b:s25+s11] =	stream.linear.scatter [tilespmem:s6], [sflag:$0x2], $0x2000, $0x38;
	[tilespmem:$0x8200] =	vst v63  }
0x112: {  	_ =	swait.ge [sflag:s31], $0x2000  }
0x113: {  	[sflag:s31] =	ssyncset.done $0x0  }
0x114: {  	[sflag:s31] =	ssyncadd.s32 $0xFFFFE000  }
0x115: {  	[tilespmem:s11], [sflag:$0x2] =	stream.linear.gather [hbm4b:s14+s11], $0x80, $0x38;
	[tilespmem:$0x8200] =	vst v63  }
0x116: {  	_ =	swait.ge [sflag:s31], $0x80  }
0x117: {  	[sflag:s31] =	ssyncset.done $0x0  }
0x118: {  	[sflag:s31] =	ssyncadd.s32 $0xFFFFFF80  }
0x119: {  	[tilespmem:s20], [sflag:$0x2] =	stream.linear.gather [hbm4b:s15+s11], $0x80, $0x38;
	[tilespmem:$0x8200] =	vst v63  }
0x11a: {  	_ =	swait.ge [sflag:s31], $0x80  }
0x11b: {  	[sflag:s31] =	ssyncset.done $0x0  }
0x11c: {  	[sflag:s31] =	ssyncadd.s32 $0xFFFFFF80  }
0x11d: {  	[tilespmem:s0], [sflag:$0x2] =	stream.linear.gather [hbm4b:s16+s11], $0x80, $0x38;
	[tilespmem:$0x8200] =	vst v63  }
0x11e: {  	_ =	swait.ge [sflag:s31], $0x80  }
0x11f: {  	[sflag:s31] =	ssyncset.done $0x0  }
0x120: {  	[sflag:s31] =	ssyncadd.s32 $0xFFFFFF80  }
0x121: {  	[tilespmem:s2], [sflag:$0x2] =	stream.linear.gather [hbm4b:s17+s11], $0x80, $0x38;
	[tilespmem:$0x8200] =	vst v63  }
0x122: {  	_ =	swait.ge [sflag:s31], $0x80  }
0x123: {  	[sflag:s31] =	ssyncset.done $0x0  }
0x124: {  	[sflag:s31] =	ssyncadd.s32 $0xFFFFFF80  }
0x125: {  	[tilespmem:s3], [sflag:$0x1] =	stream.indirect.gather [hbm4b:s29+s20], $0x40, s11, s20, $0xb8;
	[tilespmem:$0x8200] =	vst v63  }
0x126: {  	_ = 	snop  }
0x127: {  	[tilespmem:s4], [sflag:$0x1] =	stream.indirect.gather [hbm4b:s23+s20], $0x40, s20, s20, $0xb8;
	[tilespmem:$0x8200] =	vst v63  }
0x128: {  	_ = 	snop  }
0x129: {  	[tilespmem:s5], [sflag:$0x1] =	stream.indirect.gather [hbm4b:s29+s20], $0x40, s0, s20, $0xb8;
	[tilespmem:$0x8200] =	vst v63  }
0x12a: {  	_ = 	snop  }
0x12b: {  	[tilespmem:s6], [sflag:$0x1] =	stream.indirect.gather [hbm4b:s29+s20], $0x40, s2, s20, $0xb8;
	[tilespmem:$0x8200] =	vst v63  }
0x12c: {  	_ =	swait.ge [sflag:s7], $0x2000  }
0x12d: {  	[sflag:s7] =	ssyncset.done $0x0  }
0x12e: {  	[sflag:s7] =	ssyncadd.s32 $0xFFFFE000  }
0x12f: {  	_ =	swait.ge [sflag:s7], $0x2000  }
0x130: {  	[sflag:s7] =	ssyncset.done $0x0  }
0x131: {  	[sflag:s7] =	ssyncadd.s32 $0xFFFFE000  }
0x132: {  	_ =	swait.ge [sflag:s7], $0x2000  }
0x133: {  	[sflag:s7] =	ssyncset.done $0x0  }
0x134: {  	[sflag:s7] =	ssyncadd.s32 $0xFFFFE000  }
0x135: {  	_ =	swait.ge [sflag:s7], $0x2000  }
0x136: {  	[sflag:s7] =	ssyncset.done $0x0  }
0x137: {  	s9 =	simm.s32 $0x0;
	[sflag:s7] =	ssyncadd.s32 $0xFFFFE000  }
0x138: {  	v6 =	vld [tilespmem:s9+$0x200]  }
0x139: {  	v11 =	vld [tilespmem:s9+$0x2200]  }
0x13a: {  	v3 =	vld [tilespmem:s9+$0x210]  }
0x13b: {  	v5 =	vld [tilespmem:s9+$0x2210]  }
0x13c: {  	v2 =	vld [tilespmem:s9+$0x220]  }
0x13d: {  	v4 =	vld [tilespmem:s9+$0x2220]  }
0x13e: {  	v0 =	vld [tilespmem:s9+$0x230]  }
0x13f: {  	v1 =	vld [tilespmem:s9+$0x2230]  }
0x140: {  	v10 =	vld [tilespmem:s9+$0x4200]  }
0x141: {  	v9 =	vld [tilespmem:s9+$0x6200]  }
0x142: {  	v8 =	vld [tilespmem:s9+$0x4210]  }
0x143: {  	v7 =	vld [tilespmem:s9+$0x6210];
	v11 =	vadd.f32 v11, v6  }
0x144: {  	s10 =	simm.s32 $0x100;
	v6 =	vld [tilespmem:s9+$0x4220]  }
.LBB2_8:
0x145: {  	p0 =	sne.s32 s10, $0x7F00;
	v10 =	vsub.f32 v11, v10;
	v3 =	vadd.f32 v5, v3;
	v5 =	vld [tilespmem:s9+$0x6220]  }
0x146: {  	v9 =	vsub.f32 v11, v9;
	v11 =	vld [tilespmem:s9+$0x4230]  }
0x147: {  	s11 =	sshra.s32 s10, $0x2;
	v2 =	vadd.f32 v4, v2;
	[tilespmem:s9+$0x4200] =	vst v10;
	v8 =	vsub.f32 v3, v8;
	v4 =	vld [tilespmem:s9+$0x6230]  }
0x148: {  	v12 =	vld [tilespmem:s11+$0x200];
	[tilespmem:s9+$0x6200] =	vst v9;
	v7 =	vsub.f32 v3, v7  }
0x149: {  	v0 =	vadd.f32 v1, v0;
	v13 =	vld [tilespmem:s11+$0x2200];
	[tilespmem:s9+$0x4210] =	vst v8;
	v6 =	vsub.f32 v2, v6  }
0x14a: {  	v3 =	vld [tilespmem:s11+$0x210];
	[tilespmem:s9+$0x6210] =	vst v7;
	v1 =	vsub.f32 v2, v5  }
0x14b: {  	v5 =	vld [tilespmem:s11+$0x2210];
	[tilespmem:s9+$0x4220] =	vst v6;
	v6 =	vsub.f32 v0, v11  }
0x14c: {  	v2 =	vld [tilespmem:s11+$0x220];
	[tilespmem:s9+$0x6220] =	vst v1;
	v1 =	vsub.f32 v0, v4  }
0x14d: {  	v4 =	vld [tilespmem:s11+$0x2220];
	[tilespmem:s9+$0x4230] =	vst v6  }
0x14e: {  	v0 =	vld [tilespmem:s11+$0x230];
	[tilespmem:s9+$0x6230] =	vst v1;
	s9 =	smov.u32 s11  }
0x14f: {  	v1 =	vld [tilespmem:s9+$0x2230]  }
.Ltmp3:
0x150: {  	v10 =	vld [tilespmem:s9+$0x4200];
	(pc) =	sbr.rel @p0 .LBB2_8-.Ltmp3, $4  }
0x151: {  	v9 =	vld [tilespmem:s9+$0x6200]  }
0x152: {  	v8 =	vld [tilespmem:s9+$0x4210]  }
0x153: {  	v11 =	vadd.f32 v13, v12;
	v7 =	vld [tilespmem:s9+$0x6210]  }
0x154: {  	s10 =	sadd.s32 $0x100, s10;
	v6 =	vld [tilespmem:s9+$0x4220]  }
0x155: {  	v10 =	vsub.f32 v11, v10;
	v12 =	vld [tilespmem:s9+$0x6220];
	v3 =	vadd.f32 v5, v3  }
0x156: {  	v60 =	vld [tilespmem:s9+$0x4230];
	v9 =	vsub.f32 v11, v9  }
0x157: {  	v2 =	vadd.f32 v4, v2;
	v61 =	vld [tilespmem:s9+$0x6230];
	[tilespmem:s9+$0x4200] =	vst v10;
	v8 =	vsub.f32 v3, v8  }
0x158: {  	[tilespmem:s9+$0x6200] =	vst v9;
	v3 =	vsub.f32 v3, v7  }
0x159: {  	v0 =	vadd.f32 v1, v0;
	[tilespmem:s9+$0x4210] =	vst v8;
	v6 =	vsub.f32 v2, v6  }
0x15a: {  	[tilespmem:s9+$0x6210] =	vst v3;
	v62 =	vsub.f32 v2, v12  }
0x15b: {  	v63 =	vsub.f32 v0, v60;
	[tilespmem:s9+$0x4220] =	vst v6  }
0x15c: {  	v0 =	vsub.f32 v0, v61;
	[tilespmem:s9+$0x6220] =	vst v62  }
0x15d: {  	[tilespmem:s9+$0x4230] =	vst v63  }
0x15e: {  	[tilespmem:s9+$0x6230] =	vst v0  }
0x15f: {  	[hbm4b:s26+s1] =	stream.linear.scatter [tilespmem:s5], [sflag:$0x2], $0x2000, $0x38;
	[tilespmem:$0x8200] =	vst v63  }
0x160: {  	s8 =	sadd.s32 $0x1, s8;
	_ =	swait.ge [sflag:s31], $0x2000  }
0x161: {  	p0 =	sne.s32 s8, s30;
	[sflag:s31] =	ssyncset.done $0x0  }
.Ltmp4:
0x162: {  	[sflag:s31] =	ssyncadd.s32 $0xFFFFE000;
	(pc) =	sbr.rel @p0 .LBB2_1-.Ltmp4, $4  }
0x163: {  	[hbm4b:s28+s1] =	stream.linear.scatter [tilespmem:s6], [sflag:$0x2], $0x2000, $0x38;
	[tilespmem:$0x8200] =	vst v63  }
0x164: {  	_ =	swait.ge [sflag:s31], $0x2000  }
0x165: {  	[sflag:s31] =	ssyncset.done $0x0  }
0x166: {  	[sflag:s31] =	ssyncadd.s32 $0xFFFFE000  }
0x167: {  	_ =	sfence.sel $0x180000  }
0x168: {  	[bflag:$0x0] =	sbarrier.arrive $0xFFFF  }
0x169: {  	_ =	strace $0x90000047  }
0x16a: {  	s0 =	stileid.u32;
	[bflag:$0x2] =	sbarrier.arrive $0xFFFF  }
0x16b: {  	p0 =	sne.s32 s0, $0x0;
	s0 =	rddreg [dreg:$0x7]  }
0x16c: {  	s0 =	sadd.s32 @!p0 $0x100000, s0  }
0x16d: {  	[sflag:s0] =	ssyncadd.tile.s32 @!p0 $0x1;
	_ =	shalt  }
.Lfunc_end2:
_tile_overlayer_lowered:
.L_overlay_start_2:
0x16e: {  	(tag) =	ssettag $0x2  }
0x16f: {  	s0 =	rddreg [dreg:$0x0];
	s2 =	stileid.u32  }
0x170: {  	s1 =	rddreg [dreg:$0x1];
	p0 =	sne.s32 s2, $0x0  }
0x171: {  	s3 =	rddreg [dreg:$0x2];
	[bflag:$0x3] =	sbarrier.arrive $0xFFFF;
	s2 =	simm.s32 @!p0 $0x1C02  }
0x172: {  	[timem:s3], [sflag:s2] =	dma.local @!p0 [hbm:s0], s1  }
0x173: {  	s0 =	simm.s32 @!p0 $0x2  }
0x174: {  	_ =	swait.ge @!p0 [sflag:s0], s1  }
0x175: {  	s1 =	ssub.s32 @!p0 $0x0, s1;
	[sflag:s0] =	ssyncset.done @!p0 $0x0  }
0x176: {  	[sflag:s0] =	ssyncadd.s32 @!p0 s1  }
0x177: {  	[bflag:$0x3] =	sbarrier.arrive $0xFFFF  }
0x178: {  	_ =	shalt  }

</sc_bundles>
